<compile_context>
chip_gen: v7x
topology: tpu7x:2x2x1
jax: 0.10.2.dev20260603
libtpu: 0.0.44.dev20260713+nightly
codegen_flags: <defaults>
</compile_context>

<pallas_src>
import functools

import jax
import jax.numpy as jnp
from jax import lax
from jax.experimental import pallas as pl
from jax.experimental.pallas import tpu as pltpu
from jax.experimental.pallas import tpu_sc as plsc

B = 32
N = 24564
C = 81
NPAD = 24576
NB = 2048
GRID_N = NPAD // NB
BB = 8
GRID_B = B // BB
NEG_POS_RATIO = 3
LOC_LOSS_ALPHA = 1.0

SC_CORES = 2
SC_SUBCORES = 16
SC_LANES = 16
VPR = NPAD // SC_LANES

_F32 = jnp.float32
_I32 = jnp.int32



def _conf_body(abd_ref, al_ref, pbd_ref, plab_ref, mconf_ref, stats_ref):
    i = pl.program_id(1)

    zero = jnp.zeros((BB, NB), _F32)

    def cbody(c, carry):
        se, sa, dt = carry
        p = plab_ref[c]
        a = al_ref[c]
        return se + jnp.exp(p), sa + a, dt + a * p

    se, sa, dt = lax.fori_loop(0, C, cbody, (zero, zero, zero))
    conf = jnp.log(se) * sa - dt

    col = i * NB + lax.broadcasted_iota(_I32, (1, NB), 1)
    valid = col < N
    conf = jnp.maximum(jnp.where(valid, conf, 0.0), 0.0)

    abd = abd_ref[...]
    pbd = pbd_ref[...]
    sabs = jnp.sum(jnp.abs(abd), axis=1)
    pos = jnp.logical_and(sabs > 0.0, valid)
    posf = pos.astype(_F32)
    mconf_ref[...] = jnp.where(jnp.logical_or(pos, jnp.logical_not(valid)),
                               -conf, conf)

    d = abd - pbd
    ad = jnp.abs(d)
    hub = jnp.where(ad <= 1.0, 0.5 * d * d, ad - 0.5)
    loc_per = jnp.sum(hub, axis=1) * 0.25

    pcnt = jnp.sum(posf, axis=1, keepdims=True)
    locs = jnp.sum(jnp.where(pos, loc_per, 0.0), axis=1, keepdims=True)
    cps = jnp.sum(jnp.where(pos, conf, 0.0), axis=1, keepdims=True)
    negs = jnp.sum(jnp.where(pos, 0.0, conf), axis=1, keepdims=True)

    li = lax.broadcasted_iota(_I32, (BB, 128), 1)
    vec = (jnp.where(li == 0, pcnt, 0.0) + jnp.where(li == 1, locs, 0.0)
           + jnp.where(li == 2, cps, 0.0) + jnp.where(li == 3, negs, 0.0))

    @pl.when(i == 0)
    def _():
        stats_ref[0] = vec

    @pl.when(i > 0)
    def _():
        stats_ref[0] = stats_ref[0] + vec


_conf_call = pl.pallas_call(
    _conf_body,
    grid=(GRID_B, GRID_N),
    in_specs=[
        pl.BlockSpec((BB, 4, NB), lambda bb, i: (bb, 0, i)),
        pl.BlockSpec((C, BB, NB), lambda bb, i: (0, bb, i)),
        pl.BlockSpec((BB, 4, NB), lambda bb, i: (bb, 0, i)),
        pl.BlockSpec((C, BB, NB), lambda bb, i: (0, bb, i)),
    ],
    out_specs=[
        pl.BlockSpec((BB, NB), lambda bb, i: (bb, i)),
        pl.BlockSpec((1, BB, 128), lambda bb, i: (bb, 0, 0)),
    ],
    out_shape=[
        jax.ShapeDtypeStruct((B, NPAD), _F32),
        jax.ShapeDtypeStruct((GRID_B, BB, 128), _F32),
    ],
    compiler_params=pltpu.CompilerParams(
        dimension_semantics=("arbitrary", "arbitrary")),
)



def _lane_pick(vec, lane_idx, lane):
    return jnp.sum(jnp.where(lane == lane_idx, vec, jnp.zeros_like(vec)))


def _select_body(mconf_hbm, stats_hbm, out_hbm, mc_v, stats_v, hist_v, out_v):
    cid = lax.axis_index("c")
    sid = lax.axis_index("s")
    wid = sid * SC_CORES + cid
    pltpu.sync_copy(stats_hbm.at[wid], stats_v)

    lane = lax.iota(_I32, SC_LANES)
    zf = jnp.zeros((SC_LANES,), _F32)
    zi = jnp.zeros((SC_LANES,), _I32)
    absmask = jnp.full((SC_LANES,), 0x7FFFFFFF, _I32)

    sv = stats_v[pl.ds(0, SC_LANES)]
    p_f = _lane_pick(sv, 0, lane)
    s_pos_all = _lane_pick(sv, 2, lane)
    s_neg_all = _lane_pick(sv, 3, lane)
    p_i = p_f.astype(_I32)
    k_cap = NEG_POS_RATIO * p_i
    m_neg = N - p_i
    k_eff = jnp.minimum(k_cap, m_neg)
    t_pos = jnp.maximum(jnp.minimum(k_cap, N) - m_neg, 0)

    def _load(g):
        ui = plsc.bitcast(mc_v[pl.ds(g * SC_LANES, SC_LANES)], _I32)
        cv = plsc.bitcast(jnp.bitwise_and(ui, absmask), _F32)
        return ui, cv

    def _pos_prefix(_):
        pltpu.sync_copy(mconf_hbm.at[wid], mc_v)

        def body(g, carry):
            run, acc = carry
            ui, cv = _load(g)
            pv = jnp.where(ui >= 0, zf, zf + 1.0)
            cum = run + plsc.cumsum(pv)
            sel = jnp.logical_and(pv > 0.0, cum <= t_pos.astype(_F32))
            acc = acc + jnp.sum(jnp.where(sel, cv, zf))
            return run + jnp.sum(pv), acc

        _, acc = lax.fori_loop(0, VPR, body, (jnp.float32(0.0),
                                              jnp.float32(0.0)))
        return acc

    s_pos = lax.cond(t_pos >= p_i, lambda _: s_pos_all, _pos_prefix, 0)

    def _radix(_):
        pltpu.sync_copy(mconf_hbm.at[wid], mc_v)
        ones_i = jnp.ones((SC_LANES,), _I32)

        def run_pass(p, k_rem, hi_bits):
            shift = 24 - 8 * p
            for v in range(SC_LANES):
                hist_v[pl.ds(v * SC_LANES, SC_LANES)] = zi

            def hbody(g, c):
                ui, _cv = _load(g)
                msk = ui >= 0
                if p > 0:
                    sh_hi = jnp.full((SC_LANES,), shift + 8, _I32)
                    msk = jnp.logical_and(
                        msk, lax.shift_right_logical(ui, sh_hi) == hi_bits)
                sh = jnp.full((SC_LANES,), shift, _I32)
                digit = jnp.bitwise_and(lax.shift_right_logical(ui, sh),
                                        jnp.full((SC_LANES,), 0xFF, _I32))
                plsc.addupdate_scatter(hist_v, [digit], ones_i, mask=msk)
                return c

            lax.fori_loop(0, VPR, hbody, 0)

            def sbody(j, carry):
                acc, found, dsel, abv = carry
                v = 15 - j
                h = hist_v[pl.ds(v * SC_LANES, SC_LANES)]
                s_v = jnp.sum(h)
                cum = plsc.cumsum(h)
                above = (acc + s_v) - cum
                in_this = jnp.logical_and(jnp.logical_not(found),
                                          acc + s_v >= k_rem)
                hit = jnp.logical_and(
                    jnp.logical_and(above < k_rem, above + h >= k_rem),
                    in_this)
                j_lane = jnp.sum(jnp.where(hit, lane, zi))
                abv_j = jnp.sum(jnp.where(hit, above, zi))
                dsel = jnp.where(in_this, v * SC_LANES + j_lane, dsel)
                abv = jnp.where(in_this, abv_j, abv)
                acc = jnp.where(in_this, acc, acc + s_v)
                return acc, jnp.logical_or(found, in_this), dsel, abv

            _, _, dsel, abv = lax.fori_loop(
                0, SC_LANES, sbody,
                (jnp.int32(0), False, jnp.int32(0), jnp.int32(0)))
            return k_rem - abv, hi_bits * 256 + dsel

        k_rem, t_bits = k_eff, jnp.int32(0)
        for p in range(4):
            k_rem, t_bits = run_pass(p, k_rem, t_bits)

        t_vec = plsc.bitcast(jnp.full((SC_LANES,), t_bits, _I32), _F32)
        t_val = _lane_pick(t_vec, 0, lane)

        def fbody(g, carry):
            s_acc, c_acc = carry
            ui, cv = _load(g)
            gt = ui > t_bits
            return (s_acc + jnp.where(gt, cv, zf),
                    c_acc + jnp.where(gt, ones_i, zi))

        s_acc, c_acc = lax.fori_loop(0, VPR, fbody, (zf, zi))
        s_gt = jnp.sum(s_acc)
        c_gt = jnp.sum(c_acc)
        return s_gt + (k_eff - c_gt).astype(_F32) * t_val

    s_neg = lax.cond(
        k_cap >= m_neg, lambda _: s_neg_all,
        lambda _: lax.cond(k_eff <= 0, lambda __: jnp.float32(0.0),
                           _radix, 0), 0)

    total = s_neg + s_pos
    out_v[...] = jnp.where(lane == 0, total, zf)
    pltpu.sync_copy(out_v, out_hbm.at[wid])


_select_call = functools.partial(
    pl.kernel,
    out_type=jax.ShapeDtypeStruct((B, SC_LANES), _F32),
    mesh=plsc.VectorSubcoreMesh(core_axis_name="c", subcore_axis_name="s"),
    compiler_params=pltpu.CompilerParams(needs_layout_passes=False),
    scratch_types=[
        pltpu.VMEM((NPAD,), _F32),
        pltpu.VMEM((128,), _F32),
        pltpu.VMEM((256,), _I32),
        pltpu.VMEM((SC_LANES,), _F32),
    ],
)(_select_body)



def _final_body(stats_ref, sel_ref, loc_ref, conf_ref):
    st = stats_ref[...]
    li = lax.broadcasted_iota(_I32, (B, 128), 1)
    pcnt = jnp.sum(jnp.where(li == 0, st, 0.0))
    locs = jnp.sum(jnp.where(li == 1, st, 0.0))
    cps = jnp.sum(jnp.where(li == 2, st, 0.0))
    sel = sel_ref[...]
    li16 = lax.broadcasted_iota(_I32, (B, SC_LANES), 1)
    selt = jnp.sum(jnp.where(li16 == 0, sel, 0.0))
    nz = pcnt != 0.0
    loc = jnp.where(nz, locs * LOC_LOSS_ALPHA / jnp.maximum(pcnt, 1.0), 0.0)
    cl = jnp.where(nz, (cps + selt) / jnp.maximum(pcnt, 1.0), 0.0)
    loc_ref[...] = jnp.full((1, 1), 0.0, _F32) + loc
    conf_ref[...] = jnp.full((1, 1), 0.0, _F32) + cl


_final_call = pl.pallas_call(
    _final_body,
    out_shape=[jax.ShapeDtypeStruct((1, 1), _F32),
               jax.ShapeDtypeStruct((1, 1), _F32)],
)


def kernel(actual_bbox_deltas, actual_labels, pred_bbox_deltas, pred_labels):
    abd_t = jnp.transpose(actual_bbox_deltas, (0, 2, 1))
    pbd_t = jnp.transpose(pred_bbox_deltas, (0, 2, 1))
    al_t = jnp.transpose(actual_labels, (2, 0, 1))
    plab_t = jnp.transpose(pred_labels, (2, 0, 1))
    mconf, stats4 = _conf_call(abd_t, al_t, pbd_t, plab_t)
    stats = jnp.reshape(stats4, (B, 128))
    sel = _select_call(mconf, stats)
    loc, cl = _final_call(stats, sel)
    return jnp.reshape(loc, ()), jnp.reshape(cl, ())

# --- scband reference (transcript-rebuilt; emitter-appended) ---
"""Pipeline reference for scband-custom-loss-29746943492152 (READ-ONLY COPY).

The authoritative reference and input builder live on the scoring server;
editing this copy changes nothing except your own understanding.
"""

import jax, jax.numpy as jnp
import numpy as np

NEG_POS_RATIO = 3
LOC_LOSS_ALPHA = 1.0


def setup_inputs(seed: int = 0) -> dict:
    key = jax.random.key(seed)
    k1, k2, k3, k4 = jax.random.split(key, 4)
    B, N, C = 32, 24564, 81
    actual_bbox_deltas = jax.random.normal(k1, (B, N, 4), dtype=jnp.float32)
    actual_labels = jax.random.uniform(k2, (B, N, C), dtype=jnp.float32)
    pred_bbox_deltas = jax.random.normal(k3, (B, N, 4), dtype=jnp.float32)
    pred_labels = jax.random.normal(k4, (B, N, C), dtype=jnp.float32)
    return {
        "actual_bbox_deltas": actual_bbox_deltas,
        "actual_labels": actual_labels,
        "pred_bbox_deltas": pred_bbox_deltas,
        "pred_labels": pred_labels,
    }


def reference(actual_bbox_deltas, actual_labels, pred_bbox_deltas, pred_labels):
    # categorical cross entropy from logits, no reduction -> [B, N]
    log_sm = jax.nn.log_softmax(pred_labels, axis=-1)
    conf_loss_for_all = -jnp.sum(actual_labels * log_sm, axis=-1)

    # positive prior boxes: any nonzero delta
    pos_cond = jnp.any(actual_bbox_deltas != 0, axis=2)  # [B, N] bool
    pos_mask = pos_cond.astype(jnp.float32)
    pos_count = jnp.sum(pos_cond, axis=1)  # [B] int
    neg_count = (pos_count * NEG_POS_RATIO).astype(jnp.int32)  # [B]

    # hard negative mining: mask positives to -inf, sort descending,
    # pick the first neg_count[b] per row, gather ORIGINAL conf loss there
    masked_loss = jnp.where(pos_cond, -jnp.inf, conf_loss_for_all)
    sorted_idx = jnp.argsort(-masked_loss, axis=1)  # descending order of masked_loss
    gathered_conf = jnp.take_along_axis(conf_loss_for_all, sorted_idx, axis=1)
    rank = jnp.arange(conf_loss_for_all.shape[1], dtype=jnp.int32)[None, :]
    neg_mask = (rank < neg_count[:, None]).astype(jnp.float32)

    total_pos_bboxes = jnp.sum(pos_count).astype(jnp.float32)

    # Huber (delta=1) on positive boxes; tf.losses.Huber averages over the last
    # axis (4 coords) per selected row, then Reduction.SUM sums all rows.
    diff = actual_bbox_deltas - pred_bbox_deltas
    abs_d = jnp.abs(diff)
    huber = jnp.where(abs_d <= 1.0, 0.5 * diff * diff, abs_d - 0.5)
    loc_per_box = jnp.mean(huber, axis=2)  # [B, N]
    loc_loss = jnp.sum(loc_per_box * pos_mask) * LOC_LOSS_ALPHA

    conf_loss = jnp.sum(conf_loss_for_all * pos_mask) + jnp.sum(gathered_conf * neg_mask)

    loc_loss = jnp.where(total_pos_bboxes != 0, loc_loss / total_pos_bboxes, 0.0)
    conf_loss = jnp.where(total_pos_bboxes != 0, conf_loss / total_pos_bboxes, 0.0)
    return (loc_loss, conf_loss)

if __name__ == "__main__":
    import jax
    _d = setup_inputs()
    print(jax.jit(kernel)(*tuple(_d.values())))

</pallas_src>

<mosaic_0001>
#map = affine_map<(d0, d1) -> (0, 0)>
module attributes {stable_mosaic.version = 14 : i64} {
  func.func @_select_body(%arg0: i32, %arg1: i32, %arg2: memref<32x24576xf32, #tpu.memory_space<hbm>>, %arg3: memref<32x128xf32, #tpu.memory_space<hbm>>, %arg4: memref<32x16xf32, #tpu.memory_space<hbm>>, %arg5: memref<24576xf32, #tpu.memory_space<vmem>>, %arg6: memref<128xf32, #tpu.memory_space<vmem>>, %arg7: memref<256xi32, #tpu.memory_space<vmem>>, %arg8: memref<16xf32, #tpu.memory_space<vmem>>) attributes {dimension_semantics = [#tpu.dimension_semantics<core_parallel>, #tpu.dimension_semantics<subcore_parallel>], iteration_bounds = array<i64: 2, 16>, scalar_prefetch = 0 : i64, scratch_operands = 4 : i64, tpu.core_type = #tpu.core_type<sc_vector_subcore>, window_params = [{transform_indices = #map}, {transform_indices = #map}, {transform_indices = #map}]} {
    %mul3A = arith.constant 2 : i32
    %mul3A_0 = arith.muli %arg1, %mul3A : i32
    %add3A = arith.addi %mul3A_0, %arg0 : i32
    "tpu.region"() ({
      %run_scoped3A = tpu.sem_alloc : memref<!tpu.dma_semaphore, #tpu.memory_space<semaphore_mem>>
      %dma_start3A = arith.constant 0 : i32
      %dma_start3A_58 = tpu.memref_slice %arg3[%add3A, %dma_start3A] : memref<32x128xf32, #tpu.memory_space<hbm>> -> memref<1x128xf32, #tpu.memory_space<hbm>>
      %dma_start3A_59 = tpu.memref_squeeze %dma_start3A_58 : memref<1x128xf32, #tpu.memory_space<hbm>> -> memref<128xf32, #tpu.memory_space<hbm>>
      %dma_start3A_60 = arith.constant 0 : i32
      %dma_start3A_61 = tpu.memref_slice %arg3[%add3A, %dma_start3A_60] : memref<32x128xf32, #tpu.memory_space<hbm>> -> memref<1x128xf32, #tpu.memory_space<hbm>>
      %dma_start3A_62 = tpu.memref_squeeze %dma_start3A_61 : memref<1x128xf32, #tpu.memory_space<hbm>> -> memref<128xf32, #tpu.memory_space<hbm>>
      tpu.enqueue_dma source(%dma_start3A_62 : memref<128xf32, #tpu.memory_space<hbm>>) target(%arg6 : memref<128xf32, #tpu.memory_space<vmem>>) target_semaphore(%run_scoped3A : memref<!tpu.dma_semaphore, #tpu.memory_space<semaphore_mem>>)
      %dma_wait3A = arith.constant 0 : i32
      %dma_wait3A_63 = tpu.memref_slice %arg3[%add3A, %dma_wait3A] : memref<32x128xf32, #tpu.memory_space<hbm>> -> memref<1x128xf32, #tpu.memory_space<hbm>>
      %dma_wait3A_64 = tpu.memref_squeeze %dma_wait3A_63 : memref<1x128xf32, #tpu.memory_space<hbm>> -> memref<128xf32, #tpu.memory_space<hbm>>
      %dma_wait3A_65 = arith.constant 0 : i32
      %dma_wait3A_66 = tpu.memref_slice %arg3[%add3A, %dma_wait3A_65] : memref<32x128xf32, #tpu.memory_space<hbm>> -> memref<1x128xf32, #tpu.memory_space<hbm>>
      %dma_wait3A_67 = tpu.memref_squeeze %dma_wait3A_66 : memref<1x128xf32, #tpu.memory_space<hbm>> -> memref<128xf32, #tpu.memory_space<hbm>>
      tpu.wait_dma2 semaphore(%run_scoped3A : memref<!tpu.dma_semaphore, #tpu.memory_space<semaphore_mem>>) src(%dma_wait3A_67 : memref<128xf32, #tpu.memory_space<hbm>>) dst(%arg6 : memref<128xf32, #tpu.memory_space<vmem>>)
      tpu.yield
    }) : () -> ()
    %iota3A = tpu.iota {dimensions = array<i32: 0>} : vector<16xi32>
    %broadcast_in_dim3A = arith.constant 0.000000e+00 : f32
    %broadcast_in_dim3A_1 = vector.broadcast %broadcast_in_dim3A : f32 to vector<16xf32>
    %broadcast_in_dim3A_2 = arith.constant 0 : i32
    %broadcast_in_dim3A_3 = vector.broadcast %broadcast_in_dim3A_2 : i32 to vector<16xi32>
    %broadcast_in_dim3A_4 = arith.constant 2147483647 : i32
    %broadcast_in_dim3A_5 = vector.broadcast %broadcast_in_dim3A_4 : i32 to vector<16xi32>
    %get3A = arith.constant 0 : index
    %get3A_6 = tpu.vector_load %arg6[%get3A] {strides = array<i32>} : memref<128xf32, #tpu.memory_space<vmem>>, vector<16xf32>,
    %eq3A = arith.constant 0 : i32
    %eq3A_7 = vector.broadcast %eq3A : i32 to vector<16xi32>
    %eq3A_8 = arith.cmpi eq, %iota3A, %eq3A_7 : vector<16xi32>
    %broadcast_in_dim3A_9 = arith.constant 0.000000e+00 : f32
    %broadcast_in_dim3A_10 = vector.broadcast %broadcast_in_dim3A_9 : f32 to vector<16xf32>
    %select_n3A = arith.select %eq3A_8, %get3A_6, %broadcast_in_dim3A_10 : vector<16xi1>, vector<16xf32>
    %reduce_sum3A = arith.constant true
    %reduce_sum3A_11 = vector.broadcast %reduce_sum3A : i1 to vector<16xi1>
    %reduce_sum3A_12 = tpu.scan <sum>, %select_n3A masked %reduce_sum3A_11 : vector<16xf32>, vector<16xi1> -> vector<16xf32>
    %reduce_sum3A_13 = vector.extract %reduce_sum3A_12[15] : f32 from vector<16xf32>
    %eq3A_14 = arith.constant 2 : i32
    %eq3A_15 = vector.broadcast %eq3A_14 : i32 to vector<16xi32>
    %eq3A_16 = arith.cmpi eq, %iota3A, %eq3A_15 : vector<16xi32>
    %broadcast_in_dim3A_17 = arith.constant 0.000000e+00 : f32
    %broadcast_in_dim3A_18 = vector.broadcast %broadcast_in_dim3A_17 : f32 to vector<16xf32>
    %select_n3A_19 = arith.select %eq3A_16, %get3A_6, %broadcast_in_dim3A_18 : vector<16xi1>, vector<16xf32>
    %reduce_sum3A_20 = arith.constant true
    %reduce_sum3A_21 = vector.broadcast %reduce_sum3A_20 : i1 to vector<16xi1>
    %reduce_sum3A_22 = tpu.scan <sum>, %select_n3A_19 masked %reduce_sum3A_21 : vector<16xf32>, vector<16xi1> -> vector<16xf32>
    %reduce_sum3A_23 = vector.extract %reduce_sum3A_22[15] : f32 from vector<16xf32>
    %eq3A_24 = arith.constant 3 : i32
    %eq3A_25 = vector.broadcast %eq3A_24 : i32 to vector<16xi32>
    %eq3A_26 = arith.cmpi eq, %iota3A, %eq3A_25 : vector<16xi32>
    %broadcast_in_dim3A_27 = arith.constant 0.000000e+00 : f32
    %broadcast_in_dim3A_28 = vector.broadcast %broadcast_in_dim3A_27 : f32 to vector<16xf32>
    %select_n3A_29 = arith.select %eq3A_26, %get3A_6, %broadcast_in_dim3A_28 : vector<16xi1>, vector<16xf32>
    %reduce_sum3A_30 = arith.constant true
    %reduce_sum3A_31 = vector.broadcast %reduce_sum3A_30 : i1 to vector<16xi1>
    %reduce_sum3A_32 = tpu.scan <sum>, %select_n3A_29 masked %reduce_sum3A_31 : vector<16xf32>, vector<16xi1> -> vector<16xf32>
    %reduce_sum3A_33 = vector.extract %reduce_sum3A_32[15] : f32 from vector<16xf32>
    %convert_element_type3A = arith.fptosi %reduce_sum3A_13 : f32 to i32
    %mul3A_34 = arith.constant 3 : i32
    %mul3A_35 = arith.muli %mul3A_34, %convert_element_type3A : i32
    %sub3A = arith.constant 24564 : i32
    %sub3A_36 = arith.subi %sub3A, %convert_element_type3A : i32
    %min3A = arith.minsi %mul3A_35, %sub3A_36 : i32
    %min3A_37 = arith.constant 24564 : i32
    %min3A_38 = arith.minsi %mul3A_35, %min3A_37 : i32
    %sub3A_39 = arith.subi %min3A_38, %sub3A_36 : i32
    %max3A = arith.constant 0 : i32
    %max3A_40 = arith.maxsi %sub3A_39, %max3A : i32
    %ge3A = arith.cmpi sge, %max3A_40, %convert_element_type3A : i32
    %convert_element_type3A_41 = arith.extui %ge3A : i1 to i32
    %cond3A = arith.constant 0 : i32
    %cond3A_42 = arith.constant 0 : i32
    %cond3A_43 = arith.cmpi ne, %convert_element_type3A_41, %cond3A_42 : i32
    %cond3A_44 = scf.if %cond3A_43 -> (f32) {
      scf.yield %reduce_sum3A_23 : f32
    } else {
      "tpu.region"() ({
        %run_scoped3A = tpu.sem_alloc : memref<!tpu.dma_semaphore, #tpu.memory_space<semaphore_mem>>
        %dma_start3A = arith.constant 0 : i32
        %dma_start3A_65 = tpu.memref_slice %arg2[%add3A, %dma_start3A] : memref<32x24576xf32, #tpu.memory_space<hbm>> -> memref<1x24576xf32, #tpu.memory_space<hbm>>
        %dma_start3A_66 = tpu.memref_squeeze %dma_start3A_65 : memref<1x24576xf32, #tpu.memory_space<hbm>> -> memref<24576xf32, #tpu.memory_space<hbm>>
        %dma_start3A_67 = arith.constant 0 : i32
        %dma_start3A_68 = tpu.memref_slice %arg2[%add3A, %dma_start3A_67] : memref<32x24576xf32, #tpu.memory_space<hbm>> -> memref<1x24576xf32, #tpu.memory_space<hbm>>
        %dma_start3A_69 = tpu.memref_squeeze %dma_start3A_68 : memref<1x24576xf32, #tpu.memory_space<hbm>> -> memref<24576xf32, #tpu.memory_space<hbm>>
        tpu.enqueue_dma source(%dma_start3A_69 : memref<24576xf32, #tpu.memory_space<hbm>>) target(%arg5 : memref<24576xf32, #tpu.memory_space<vmem>>) target_semaphore(%run_scoped3A : memref<!tpu.dma_semaphore, #tpu.memory_space<semaphore_mem>>)
        %dma_wait3A = arith.constant 0 : i32
        %dma_wait3A_70 = tpu.memref_slice %arg2[%add3A, %dma_wait3A] : memref<32x24576xf32, #tpu.memory_space<hbm>> -> memref<1x24576xf32, #tpu.memory_space<hbm>>
        %dma_wait3A_71 = tpu.memref_squeeze %dma_wait3A_70 : memref<1x24576xf32, #tpu.memory_space<hbm>> -> memref<24576xf32, #tpu.memory_space<hbm>>
        %dma_wait3A_72 = arith.constant 0 : i32
        %dma_wait3A_73 = tpu.memref_slice %arg2[%add3A, %dma_wait3A_72] : memref<32x24576xf32, #tpu.memory_space<hbm>> -> memref<1x24576xf32, #tpu.memory_space<hbm>>
        %dma_wait3A_74 = tpu.memref_squeeze %dma_wait3A_73 : memref<1x24576xf32, #tpu.memory_space<hbm>> -> memref<24576xf32, #tpu.memory_space<hbm>>
        tpu.wait_dma2 semaphore(%run_scoped3A : memref<!tpu.dma_semaphore, #tpu.memory_space<semaphore_mem>>) src(%dma_wait3A_74 : memref<24576xf32, #tpu.memory_space<hbm>>) dst(%arg5 : memref<24576xf32, #tpu.memory_space<vmem>>)
        tpu.yield
      }) : () -> ()
      %scan3A = arith.constant 0.000000e+00 : f32
      %scan3A_58 = arith.constant 0.000000e+00 : f32
      %scan3A_59 = arith.constant 0 : i32
      %scan3A_60 = arith.constant 1536 : i32
      %scan3A_61 = arith.addi %scan3A_59, %scan3A_60 : i32
      %scan3A_62 = arith.constant 1 : i32
      %scan3A_63:2 = scf.for %scan3A_65 = %scan3A_59 to %scan3A_61 step %scan3A_62 iter_args(%scan3A_66 = %scan3A, %scan3A_67 = %scan3A_58) -> (f32, f32)  : i32 {
        %mul3A_68 = arith.constant 16 : i32
        %mul3A_69 = arith.muli %scan3A_65, %mul3A_68 : i32
        %get3A_70 = arith.index_cast %mul3A_69 : i32 to index
        %get3A_71 = tpu.vector_load %arg5[%get3A_70] {strides = array<i32>} : memref<24576xf32, #tpu.memory_space<vmem>>, vector<16xf32>,
        %bitcast3A = vector.bitcast %get3A_71 : vector<16xf32> to vector<16xi32>
        %and3A = arith.andi %bitcast3A, %broadcast_in_dim3A_5 : vector<16xi32>
        %bitcast3A_72 = vector.bitcast %and3A : vector<16xi32> to vector<16xf32>
        %ge3A_73 = arith.constant 0 : i32
        %ge3A_74 = vector.broadcast %ge3A_73 : i32 to vector<16xi32>
        %ge3A_75 = arith.cmpi sge, %bitcast3A, %ge3A_74 : vector<16xi32>
        %add3A_76 = arith.constant 1.000000e+00 : f32
        %add3A_77 = vector.broadcast %add3A_76 : f32 to vector<16xf32>
        %add3A_78 = arith.addf %broadcast_in_dim3A_1, %add3A_77 : vector<16xf32>
        %select_n3A_79 = arith.select %ge3A_75, %broadcast_in_dim3A_1, %add3A_78 : vector<16xi1>, vector<16xf32>
        %broadcast_in_dim3A_80 = arith.constant true
        %broadcast_in_dim3A_81 = vector.broadcast %broadcast_in_dim3A_80 : i1 to vector<16xi1>
        %masked_cumsum3A = tpu.scan <sum>, %select_n3A_79 masked %broadcast_in_dim3A_81 : vector<16xf32>, vector<16xi1> -> vector<16xf32>
        %add3A_82 = vector.broadcast %scan3A_66 : f32 to vector<16xf32>
        %add3A_83 = arith.addf %add3A_82, %masked_cumsum3A : vector<16xf32>
        %gt3A = arith.constant 0.000000e+00 : f32
        %gt3A_84 = vector.broadcast %gt3A : f32 to vector<16xf32>
        %gt3A_85 = arith.cmpf ogt, %select_n3A_79, %gt3A_84 : vector<16xf32>
        %convert_element_type3A_86 = arith.sitofp %max3A_40 : i32 to f32
        %le3A = vector.broadcast %convert_element_type3A_86 : f32 to vector<16xf32>
        %le3A_87 = arith.cmpf ole, %add3A_83, %le3A : vector<16xf32>
        %and3A_88 = arith.andi %gt3A_85, %le3A_87 : vector<16xi1>
        %select_n3A_89 = arith.select %and3A_88, %bitcast3A_72, %broadcast_in_dim3A_1 : vector<16xi1>, vector<16xf32>
        %reduce_sum3A_90 = arith.constant true
        %reduce_sum3A_91 = vector.broadcast %reduce_sum3A_90 : i1 to vector<16xi1>
        %reduce_sum3A_92 = tpu.scan <sum>, %select_n3A_89 masked %reduce_sum3A_91 : vector<16xf32>, vector<16xi1> -> vector<16xf32>
        %reduce_sum3A_93 = vector.extract %reduce_sum3A_92[15] : f32 from vector<16xf32>
        %add3A_94 = arith.addf %scan3A_67, %reduce_sum3A_93 : f32
        %reduce_sum3A_95 = arith.constant true
        %reduce_sum3A_96 = vector.broadcast %reduce_sum3A_95 : i1 to vector<16xi1>
        %reduce_sum3A_97 = tpu.scan <sum>, %select_n3A_79 masked %reduce_sum3A_96 : vector<16xf32>, vector<16xi1> -> vector<16xf32>
        %reduce_sum3A_98 = vector.extract %reduce_sum3A_97[15] : f32 from vector<16xf32>
        %add3A_99 = arith.addf %scan3A_66, %reduce_sum3A_98 : f32
        scf.yield %add3A_99, %add3A_94 : f32, f32
      }
      %scan3A_64 = arith.constant 1536 : i32
      scf.yield %scan3A_63#1 : f32
    }
    %ge3A_45 = arith.cmpi sge, %mul3A_35, %sub3A_36 : i32
    %convert_element_type3A_46 = arith.extui %ge3A_45 : i1 to i32
    %cond3A_47 = arith.constant 0 : i32
    %cond3A_48 = arith.constant 0 : i32
    %cond3A_49 = arith.cmpi ne, %convert_element_type3A_46, %cond3A_48 : i32
    %cond3A_50 = scf.if %cond3A_49 -> (f32) {
      scf.yield %reduce_sum3A_33 : f32
    } else {
      %le3A = arith.constant 0 : i32
      %le3A_58 = arith.cmpi sle, %min3A, %le3A : i32
      %convert_element_type3A_59 = arith.extui %le3A_58 : i1 to i32
      %cond3A_60 = arith.constant 0 : i32
      %cond3A_61 = arith.constant 0 : i32
      %cond3A_62 = arith.cmpi ne, %convert_element_type3A_59, %cond3A_61 : i32
      %cond3A_63 = scf.if %cond3A_62 -> (f32) {
        %cond3A_64 = arith.constant 0.000000e+00 : f32
        scf.yield %cond3A_64 : f32
      } else {
        "tpu.region"() ({
          %run_scoped3A = tpu.sem_alloc : memref<!tpu.dma_semaphore, #tpu.memory_space<semaphore_mem>>
          %dma_start3A = arith.constant 0 : i32
          %dma_start3A_303 = tpu.memref_slice %arg2[%add3A, %dma_start3A] : memref<32x24576xf32, #tpu.memory_space<hbm>> -> memref<1x24576xf32, #tpu.memory_space<hbm>>
          %dma_start3A_304 = tpu.memref_squeeze %dma_start3A_303 : memref<1x24576xf32, #tpu.memory_space<hbm>> -> memref<24576xf32, #tpu.memory_space<hbm>>
          %dma_start3A_305 = arith.constant 0 : i32
          %dma_start3A_306 = tpu.memref_slice %arg2[%add3A, %dma_start3A_305] : memref<32x24576xf32, #tpu.memory_space<hbm>> -> memref<1x24576xf32, #tpu.memory_space<hbm>>
          %dma_start3A_307 = tpu.memref_squeeze %dma_start3A_306 : memref<1x24576xf32, #tpu.memory_space<hbm>> -> memref<24576xf32, #tpu.memory_space<hbm>>
          tpu.enqueue_dma source(%dma_start3A_307 : memref<24576xf32, #tpu.memory_space<hbm>>) target(%arg5 : memref<24576xf32, #tpu.memory_space<vmem>>) target_semaphore(%run_scoped3A : memref<!tpu.dma_semaphore, #tpu.memory_space<semaphore_mem>>)
          %dma_wait3A = arith.constant 0 : i32
          %dma_wait3A_308 = tpu.memref_slice %arg2[%add3A, %dma_wait3A] : memref<32x24576xf32, #tpu.memory_space<hbm>> -> memref<1x24576xf32, #tpu.memory_space<hbm>>
          %dma_wait3A_309 = tpu.memref_squeeze %dma_wait3A_308 : memref<1x24576xf32, #tpu.memory_space<hbm>> -> memref<24576xf32, #tpu.memory_space<hbm>>
          %dma_wait3A_310 = arith.constant 0 : i32
          %dma_wait3A_311 = tpu.memref_slice %arg2[%add3A, %dma_wait3A_310] : memref<32x24576xf32, #tpu.memory_space<hbm>> -> memref<1x24576xf32, #tpu.memory_space<hbm>>
          %dma_wait3A_312 = tpu.memref_squeeze %dma_wait3A_311 : memref<1x24576xf32, #tpu.memory_space<hbm>> -> memref<24576xf32, #tpu.memory_space<hbm>>
          tpu.wait_dma2 semaphore(%run_scoped3A : memref<!tpu.dma_semaphore, #tpu.memory_space<semaphore_mem>>) src(%dma_wait3A_312 : memref<24576xf32, #tpu.memory_space<hbm>>) dst(%arg5 : memref<24576xf32, #tpu.memory_space<vmem>>)
          tpu.yield
        }) : () -> ()
        %broadcast_in_dim3A_64 = arith.constant 1 : i32
        %broadcast_in_dim3A_65 = vector.broadcast %broadcast_in_dim3A_64 : i32 to vector<16xi32>
        %swap3A_66 = arith.constant 0 : index
        %swap3A_67 = tpu.vector_load %arg7[%swap3A_66] {strides = array<i32>} : memref<256xi32, #tpu.memory_space<vmem>>, vector<16xi32>,
        tpu.vector_store %arg7[%swap3A_66], %broadcast_in_dim3A_3 {strides = array<i32>} : memref<256xi32, #tpu.memory_space<vmem>>, vector<16xi32>,
        %swap3A_68 = arith.constant 16 : index
        %swap3A_69 = tpu.vector_load %arg7[%swap3A_68] {strides = array<i32>} : memref<256xi32, #tpu.memory_space<vmem>>, vector<16xi32>,
        tpu.vector_store %arg7[%swap3A_68], %broadcast_in_dim3A_3 {strides = array<i32>} : memref<256xi32, #tpu.memory_space<vmem>>, vector<16xi32>,
        %swap3A_70 = arith.constant 32 : index
        %swap3A_71 = tpu.vector_load %arg7[%swap3A_70] {strides = array<i32>} : memref<256xi32, #tpu.memory_space<vmem>>, vector<16xi32>,
        tpu.vector_store %arg7[%swap3A_70], %broadcast_in_dim3A_3 {strides = array<i32>} : memref<256xi32, #tpu.memory_space<vmem>>, vector<16xi32>,
        %swap3A_72 = arith.constant 48 : index
        %swap3A_73 = tpu.vector_load %arg7[%swap3A_72] {strides = array<i32>} : memref<256xi32, #tpu.memory_space<vmem>>, vector<16xi32>,
        tpu.vector_store %arg7[%swap3A_72], %broadcast_in_dim3A_3 {strides = array<i32>} : memref<256xi32, #tpu.memory_space<vmem>>, vector<16xi32>,
        %swap3A_74 = arith.constant 64 : index
        %swap3A_75 = tpu.vector_load %arg7[%swap3A_74] {strides = array<i32>} : memref<256xi32, #tpu.memory_space<vmem>>, vector<16xi32>,
        tpu.vector_store %arg7[%swap3A_74], %broadcast_in_dim3A_3 {strides = array<i32>} : memref<256xi32, #tpu.memory_space<vmem>>, vector<16xi32>,
        %swap3A_76 = arith.constant 80 : index
        %swap3A_77 = tpu.vector_load %arg7[%swap3A_76] {strides = array<i32>} : memref<256xi32, #tpu.memory_space<vmem>>, vector<16xi32>,
        tpu.vector_store %arg7[%swap3A_76], %broadcast_in_dim3A_3 {strides = array<i32>} : memref<256xi32, #tpu.memory_space<vmem>>, vector<16xi32>,
        %swap3A_78 = arith.constant 96 : index
        %swap3A_79 = tpu.vector_load %arg7[%swap3A_78] {strides = array<i32>} : memref<256xi32, #tpu.memory_space<vmem>>, vector<16xi32>,
        tpu.vector_store %arg7[%swap3A_78], %broadcast_in_dim3A_3 {strides = array<i32>} : memref<256xi32, #tpu.memory_space<vmem>>, vector<16xi32>,
        %swap3A_80 = arith.constant 112 : index
        %swap3A_81 = tpu.vector_load %arg7[%swap3A_80] {strides = array<i32>} : memref<256xi32, #tpu.memory_space<vmem>>, vector<16xi32>,
        tpu.vector_store %arg7[%swap3A_80], %broadcast_in_dim3A_3 {strides = array<i32>} : memref<256xi32, #tpu.memory_space<vmem>>, vector<16xi32>,
        %swap3A_82 = arith.constant 128 : index
        %swap3A_83 = tpu.vector_load %arg7[%swap3A_82] {strides = array<i32>} : memref<256xi32, #tpu.memory_space<vmem>>, vector<16xi32>,
        tpu.vector_store %arg7[%swap3A_82], %broadcast_in_dim3A_3 {strides = array<i32>} : memref<256xi32, #tpu.memory_space<vmem>>, vector<16xi32>,
        %swap3A_84 = arith.constant 144 : index
        %swap3A_85 = tpu.vector_load %arg7[%swap3A_84] {strides = array<i32>} : memref<256xi32, #tpu.memory_space<vmem>>, vector<16xi32>,
        tpu.vector_store %arg7[%swap3A_84], %broadcast_in_dim3A_3 {strides = array<i32>} : memref<256xi32, #tpu.memory_space<vmem>>, vector<16xi32>,
        %swap3A_86 = arith.constant 160 : index
        %swap3A_87 = tpu.vector_load %arg7[%swap3A_86] {strides = array<i32>} : memref<256xi32, #tpu.memory_space<vmem>>, vector<16xi32>,
        tpu.vector_store %arg7[%swap3A_86], %broadcast_in_dim3A_3 {strides = array<i32>} : memref<256xi32, #tpu.memory_space<vmem>>, vector<16xi32>,
        %swap3A_88 = arith.constant 176 : index
        %swap3A_89 = tpu.vector_load %arg7[%swap3A_88] {strides = array<i32>} : memref<256xi32, #tpu.memory_space<vmem>>, vector<16xi32>,
        tpu.vector_store %arg7[%swap3A_88], %broadcast_in_dim3A_3 {strides = array<i32>} : memref<256xi32, #tpu.memory_space<vmem>>, vector<16xi32>,
        %swap3A_90 = arith.constant 192 : index
        %swap3A_91 = tpu.vector_load %arg7[%swap3A_90] {strides = array<i32>} : memref<256xi32, #tpu.memory_space<vmem>>, vector<16xi32>,
        tpu.vector_store %arg7[%swap3A_90], %broadcast_in_dim3A_3 {strides = array<i32>} : memref<256xi32, #tpu.memory_space<vmem>>, vector<16xi32>,
        %swap3A_92 = arith.constant 208 : index
        %swap3A_93 = tpu.vector_load %arg7[%swap3A_92] {strides = array<i32>} : memref<256xi32, #tpu.memory_space<vmem>>, vector<16xi32>,
        tpu.vector_store %arg7[%swap3A_92], %broadcast_in_dim3A_3 {strides = array<i32>} : memref<256xi32, #tpu.memory_space<vmem>>, vector<16xi32>,
        %swap3A_94 = arith.constant 224 : index
        %swap3A_95 = tpu.vector_load %arg7[%swap3A_94] {strides = array<i32>} : memref<256xi32, #tpu.memory_space<vmem>>, vector<16xi32>,
        tpu.vector_store %arg7[%swap3A_94], %broadcast_in_dim3A_3 {strides = array<i32>} : memref<256xi32, #tpu.memory_space<vmem>>, vector<16xi32>,
        %swap3A_96 = arith.constant 240 : index
        %swap3A_97 = tpu.vector_load %arg7[%swap3A_96] {strides = array<i32>} : memref<256xi32, #tpu.memory_space<vmem>>, vector<16xi32>,
        tpu.vector_store %arg7[%swap3A_96], %broadcast_in_dim3A_3 {strides = array<i32>} : memref<256xi32, #tpu.memory_space<vmem>>, vector<16xi32>,
        %scan3A = arith.constant 0 : i32
        %scan3A_98 = arith.constant 0 : i32
        %scan3A_99 = arith.constant 1536 : i32
        %scan3A_100 = arith.addi %scan3A_98, %scan3A_99 : i32
        %scan3A_101 = arith.constant 1 : i32
        scf.for %scan3A_303 = %scan3A_98 to %scan3A_100 step %scan3A_101  : i32 {
          %mul3A_304 = arith.constant 16 : i32
          %mul3A_305 = arith.muli %scan3A_303, %mul3A_304 : i32
          %get3A_306 = arith.index_cast %mul3A_305 : i32 to index
          %get3A_307 = tpu.vector_load %arg5[%get3A_306] {strides = array<i32>} : memref<24576xf32, #tpu.memory_space<vmem>>, vector<16xf32>,
          %bitcast3A_308 = vector.bitcast %get3A_307 : vector<16xf32> to vector<16xi32>
          %and3A = arith.andi %bitcast3A_308, %broadcast_in_dim3A_5 : vector<16xi32>
          %bitcast3A_309 = vector.bitcast %and3A : vector<16xi32> to vector<16xf32>
          %ge3A_310 = arith.constant 0 : i32
          %ge3A_311 = vector.broadcast %ge3A_310 : i32 to vector<16xi32>
          %ge3A_312 = arith.cmpi sge, %bitcast3A_308, %ge3A_311 : vector<16xi32>
          %broadcast_in_dim3A_313 = arith.constant 24 : i32
          %broadcast_in_dim3A_314 = vector.broadcast %broadcast_in_dim3A_313 : i32 to vector<16xi32>
          %shift_right_logical3A = arith.shrui %bitcast3A_308, %broadcast_in_dim3A_314 : vector<16xi32>
          %broadcast_in_dim3A_315 = arith.constant 255 : i32
          %broadcast_in_dim3A_316 = vector.broadcast %broadcast_in_dim3A_315 : i32 to vector<16xi32>
          %and3A_317 = arith.andi %shift_right_logical3A, %broadcast_in_dim3A_316 : vector<16xi32>
          tpu.vector_store_idx %arg7[%and3A_317], %broadcast_in_dim3A_65 masked %ge3A_312 {add = true} : memref<256xi32, #tpu.memory_space<vmem>>[vector<16xi32>], vector<16xi32>, vector<16xi1>
        }
        %scan3A_102 = arith.constant 1536 : i32
        %scan3A_103 = arith.constant 0 : i32
        %scan3A_104 = arith.constant false
        %scan3A_105 = arith.constant 0 : i32
        %scan3A_106 = arith.constant 0 : i32
        %scan3A_107 = arith.constant 0 : i32
        %scan3A_108 = arith.constant 16 : i32
        %scan3A_109 = arith.addi %scan3A_107, %scan3A_108 : i32
        %scan3A_110 = arith.constant 1 : i32
        %scan3A_111:4 = scf.for %scan3A_303 = %scan3A_107 to %scan3A_109 step %scan3A_110 iter_args(%scan3A_304 = %scan3A_103, %scan3A_305 = %scan3A_104, %scan3A_306 = %scan3A_105, %scan3A_307 = %scan3A_106) -> (i32, i1, i32, i32)  : i32 {
          %sub3A_308 = arith.constant 15 : i32
          %sub3A_309 = arith.subi %sub3A_308, %scan3A_303 : i32
          %mul3A_310 = arith.constant 16 : i32
          %mul3A_311 = arith.muli %sub3A_309, %mul3A_310 : i32
          %get3A_312 = arith.index_cast %mul3A_311 : i32 to index
          %get3A_313 = tpu.vector_load %arg7[%get3A_312] {strides = array<i32>} : memref<256xi32, #tpu.memory_space<vmem>>, vector<16xi32>,
          %reduce_sum3A_314 = arith.constant true
          %reduce_sum3A_315 = vector.broadcast %reduce_sum3A_314 : i1 to vector<16xi1>
          %reduce_sum3A_316 = tpu.scan <sum>, %get3A_313 masked %reduce_sum3A_315 : vector<16xi32>, vector<16xi1> -> vector<16xi32>
          %reduce_sum3A_317 = vector.extract %reduce_sum3A_316[15] : i32 from vector<16xi32>
          %broadcast_in_dim3A_318 = arith.constant true
          %broadcast_in_dim3A_319 = vector.broadcast %broadcast_in_dim3A_318 : i1 to vector<16xi1>
          %masked_cumsum3A = tpu.scan <sum>, %get3A_313 masked %broadcast_in_dim3A_319 : vector<16xi32>, vector<16xi1> -> vector<16xi32>
          %add3A_320 = arith.addi %scan3A_304, %reduce_sum3A_317 : i32
          %sub3A_321 = vector.broadcast %add3A_320 : i32 to vector<16xi32>
          %sub3A_322 = arith.subi %sub3A_321, %masked_cumsum3A : vector<16xi32>
          %not3A = arith.constant true
          %not3A_323 = arith.xori %scan3A_305, %not3A : i1
          %add3A_324 = arith.addi %scan3A_304, %reduce_sum3A_317 : i32
          %ge3A_325 = arith.cmpi sge, %add3A_324, %min3A : i32
          %and3A = arith.andi %not3A_323, %ge3A_325 : i1
          %lt3A = vector.broadcast %min3A : i32 to vector<16xi32>
          %lt3A_326 = arith.cmpi slt, %sub3A_322, %lt3A : vector<16xi32>
          %add3A_327 = arith.addi %sub3A_322, %get3A_313 : vector<16xi32>
          %ge3A_328 = vector.broadcast %min3A : i32 to vector<16xi32>
          %ge3A_329 = arith.cmpi sge, %add3A_327, %ge3A_328 : vector<16xi32>
          %and3A_330 = arith.andi %lt3A_326, %ge3A_329 : vector<16xi1>
          %and3A_331 = vector.broadcast %and3A : i1 to vector<16xi1>
          %and3A_332 = arith.andi %and3A_330, %and3A_331 : vector<16xi1>
          %select_n3A_333 = arith.select %and3A_332, %iota3A, %broadcast_in_dim3A_3 : vector<16xi1>, vector<16xi32>
          %reduce_sum3A_334 = arith.constant true
          %reduce_sum3A_335 = vector.broadcast %reduce_sum3A_334 : i1 to vector<16xi1>
          %reduce_sum3A_336 = tpu.scan <sum>, %select_n3A_333 masked %reduce_sum3A_335 : vector<16xi32>, vector<16xi1> -> vector<16xi32>
          %reduce_sum3A_337 = vector.extract %reduce_sum3A_336[15] : i32 from vector<16xi32>
          %select_n3A_338 = arith.select %and3A_332, %sub3A_322, %broadcast_in_dim3A_3 : vector<16xi1>, vector<16xi32>
          %reduce_sum3A_339 = arith.constant true
          %reduce_sum3A_340 = vector.broadcast %reduce_sum3A_339 : i1 to vector<16xi1>
          %reduce_sum3A_341 = tpu.scan <sum>, %select_n3A_338 masked %reduce_sum3A_340 : vector<16xi32>, vector<16xi1> -> vector<16xi32>
          %reduce_sum3A_342 = vector.extract %reduce_sum3A_341[15] : i32 from vector<16xi32>
          %mul3A_343 = arith.constant 16 : i32
          %mul3A_344 = arith.muli %sub3A_309, %mul3A_343 : i32
          %add3A_345 = arith.addi %mul3A_344, %reduce_sum3A_337 : i32
          %select_n3A_346 = arith.select %and3A, %add3A_345, %scan3A_306 : i32
          %select_n3A_347 = arith.select %and3A, %reduce_sum3A_342, %scan3A_307 : i32
          %add3A_348 = arith.addi %scan3A_304, %reduce_sum3A_317 : i32
          %select_n3A_349 = arith.select %and3A, %scan3A_304, %add3A_348 : i32
          %or3A = arith.ori %scan3A_305, %and3A : i1
          scf.yield %select_n3A_349, %or3A, %select_n3A_346, %select_n3A_347 : i32, i1, i32, i32
        }
        %scan3A_112 = arith.constant 16 : i32
        %sub3A_113 = arith.subi %min3A, %scan3A_111#3 : i32
        %mul3A_114 = arith.constant 0 : i32
        %mul3A_115 = arith.constant 256 : i32
        %mul3A_116 = arith.muli %mul3A_114, %mul3A_115 : i32
        %add3A_117 = arith.addi %mul3A_116, %scan3A_111#2 : i32
        %swap3A_118 = arith.constant 0 : index
        %swap3A_119 = tpu.vector_load %arg7[%swap3A_118] {strides = array<i32>} : memref<256xi32, #tpu.memory_space<vmem>>, vector<16xi32>,
        tpu.vector_store %arg7[%swap3A_118], %broadcast_in_dim3A_3 {strides = array<i32>} : memref<256xi32, #tpu.memory_space<vmem>>, vector<16xi32>,
        %swap3A_120 = arith.constant 16 : index
        %swap3A_121 = tpu.vector_load %arg7[%swap3A_120] {strides = array<i32>} : memref<256xi32, #tpu.memory_space<vmem>>, vector<16xi32>,
        tpu.vector_store %arg7[%swap3A_120], %broadcast_in_dim3A_3 {strides = array<i32>} : memref<256xi32, #tpu.memory_space<vmem>>, vector<16xi32>,
        %swap3A_122 = arith.constant 32 : index
        %swap3A_123 = tpu.vector_load %arg7[%swap3A_122] {strides = array<i32>} : memref<256xi32, #tpu.memory_space<vmem>>, vector<16xi32>,
        tpu.vector_store %arg7[%swap3A_122], %broadcast_in_dim3A_3 {strides = array<i32>} : memref<256xi32, #tpu.memory_space<vmem>>, vector<16xi32>,
        %swap3A_124 = arith.constant 48 : index
        %swap3A_125 = tpu.vector_load %arg7[%swap3A_124] {strides = array<i32>} : memref<256xi32, #tpu.memory_space<vmem>>, vector<16xi32>,
        tpu.vector_store %arg7[%swap3A_124], %broadcast_in_dim3A_3 {strides = array<i32>} : memref<256xi32, #tpu.memory_space<vmem>>, vector<16xi32>,
        %swap3A_126 = arith.constant 64 : index
        %swap3A_127 = tpu.vector_load %arg7[%swap3A_126] {strides = array<i32>} : memref<256xi32, #tpu.memory_space<vmem>>, vector<16xi32>,
        tpu.vector_store %arg7[%swap3A_126], %broadcast_in_dim3A_3 {strides = array<i32>} : memref<256xi32, #tpu.memory_space<vmem>>, vector<16xi32>,
        %swap3A_128 = arith.constant 80 : index
        %swap3A_129 = tpu.vector_load %arg7[%swap3A_128] {strides = array<i32>} : memref<256xi32, #tpu.memory_space<vmem>>, vector<16xi32>,
        tpu.vector_store %arg7[%swap3A_128], %broadcast_in_dim3A_3 {strides = array<i32>} : memref<256xi32, #tpu.memory_space<vmem>>, vector<16xi32>,
        %swap3A_130 = arith.constant 96 : index
        %swap3A_131 = tpu.vector_load %arg7[%swap3A_130] {strides = array<i32>} : memref<256xi32, #tpu.memory_space<vmem>>, vector<16xi32>,
        tpu.vector_store %arg7[%swap3A_130], %broadcast_in_dim3A_3 {strides = array<i32>} : memref<256xi32, #tpu.memory_space<vmem>>, vector<16xi32>,
        %swap3A_132 = arith.constant 112 : index
        %swap3A_133 = tpu.vector_load %arg7[%swap3A_132] {strides = array<i32>} : memref<256xi32, #tpu.memory_space<vmem>>, vector<16xi32>,
        tpu.vector_store %arg7[%swap3A_132], %broadcast_in_dim3A_3 {strides = array<i32>} : memref<256xi32, #tpu.memory_space<vmem>>, vector<16xi32>,
        %swap3A_134 = arith.constant 128 : index
        %swap3A_135 = tpu.vector_load %arg7[%swap3A_134] {strides = array<i32>} : memref<256xi32, #tpu.memory_space<vmem>>, vector<16xi32>,
        tpu.vector_store %arg7[%swap3A_134], %broadcast_in_dim3A_3 {strides = array<i32>} : memref<256xi32, #tpu.memory_space<vmem>>, vector<16xi32>,
        %swap3A_136 = arith.constant 144 : index
        %swap3A_137 = tpu.vector_load %arg7[%swap3A_136] {strides = array<i32>} : memref<256xi32, #tpu.memory_space<vmem>>, vector<16xi32>,
        tpu.vector_store %arg7[%swap3A_136], %broadcast_in_dim3A_3 {strides = array<i32>} : memref<256xi32, #tpu.memory_space<vmem>>, vector<16xi32>,
        %swap3A_138 = arith.constant 160 : index
        %swap3A_139 = tpu.vector_load %arg7[%swap3A_138] {strides = array<i32>} : memref<256xi32, #tpu.memory_space<vmem>>, vector<16xi32>,
        tpu.vector_store %arg7[%swap3A_138], %broadcast_in_dim3A_3 {strides = array<i32>} : memref<256xi32, #tpu.memory_space<vmem>>, vector<16xi32>,
        %swap3A_140 = arith.constant 176 : index
        %swap3A_141 = tpu.vector_load %arg7[%swap3A_140] {strides = array<i32>} : memref<256xi32, #tpu.memory_space<vmem>>, vector<16xi32>,
        tpu.vector_store %arg7[%swap3A_140], %broadcast_in_dim3A_3 {strides = array<i32>} : memref<256xi32, #tpu.memory_space<vmem>>, vector<16xi32>,
        %swap3A_142 = arith.constant 192 : index
        %swap3A_143 = tpu.vector_load %arg7[%swap3A_142] {strides = array<i32>} : memref<256xi32, #tpu.memory_space<vmem>>, vector<16xi32>,
        tpu.vector_store %arg7[%swap3A_142], %broadcast_in_dim3A_3 {strides = array<i32>} : memref<256xi32, #tpu.memory_space<vmem>>, vector<16xi32>,
        %swap3A_144 = arith.constant 208 : index
        %swap3A_145 = tpu.vector_load %arg7[%swap3A_144] {strides = array<i32>} : memref<256xi32, #tpu.memory_space<vmem>>, vector<16xi32>,
        tpu.vector_store %arg7[%swap3A_144], %broadcast_in_dim3A_3 {strides = array<i32>} : memref<256xi32, #tpu.memory_space<vmem>>, vector<16xi32>,
        %swap3A_146 = arith.constant 224 : index
        %swap3A_147 = tpu.vector_load %arg7[%swap3A_146] {strides = array<i32>} : memref<256xi32, #tpu.memory_space<vmem>>, vector<16xi32>,
        tpu.vector_store %arg7[%swap3A_146], %broadcast_in_dim3A_3 {strides = array<i32>} : memref<256xi32, #tpu.memory_space<vmem>>, vector<16xi32>,
        %swap3A_148 = arith.constant 240 : index
        %swap3A_149 = tpu.vector_load %arg7[%swap3A_148] {strides = array<i32>} : memref<256xi32, #tpu.memory_space<vmem>>, vector<16xi32>,
        tpu.vector_store %arg7[%swap3A_148], %broadcast_in_dim3A_3 {strides = array<i32>} : memref<256xi32, #tpu.memory_space<vmem>>, vector<16xi32>,
        %scan3A_150 = arith.constant 0 : i32
        %scan3A_151 = arith.constant 0 : i32
        %scan3A_152 = arith.constant 1536 : i32
        %scan3A_153 = arith.addi %scan3A_151, %scan3A_152 : i32
        %scan3A_154 = arith.constant 1 : i32
        scf.for %scan3A_303 = %scan3A_151 to %scan3A_153 step %scan3A_154  : i32 {
          %mul3A_304 = arith.constant 16 : i32
          %mul3A_305 = arith.muli %scan3A_303, %mul3A_304 : i32
          %get3A_306 = arith.index_cast %mul3A_305 : i32 to index
          %get3A_307 = tpu.vector_load %arg5[%get3A_306] {strides = array<i32>} : memref<24576xf32, #tpu.memory_space<vmem>>, vector<16xf32>,
          %bitcast3A_308 = vector.bitcast %get3A_307 : vector<16xf32> to vector<16xi32>
          %and3A = arith.andi %bitcast3A_308, %broadcast_in_dim3A_5 : vector<16xi32>
          %bitcast3A_309 = vector.bitcast %and3A : vector<16xi32> to vector<16xf32>
          %ge3A_310 = arith.constant 0 : i32
          %ge3A_311 = vector.broadcast %ge3A_310 : i32 to vector<16xi32>
          %ge3A_312 = arith.cmpi sge, %bitcast3A_308, %ge3A_311 : vector<16xi32>
          %broadcast_in_dim3A_313 = arith.constant 24 : i32
          %broadcast_in_dim3A_314 = vector.broadcast %broadcast_in_dim3A_313 : i32 to vector<16xi32>
          %shift_right_logical3A = arith.shrui %bitcast3A_308, %broadcast_in_dim3A_314 : vector<16xi32>
          %eq3A_315 = vector.broadcast %add3A_117 : i32 to vector<16xi32>
          %eq3A_316 = arith.cmpi eq, %shift_right_logical3A, %eq3A_315 : vector<16xi32>
          %and3A_317 = arith.andi %ge3A_312, %eq3A_316 : vector<16xi1>
          %broadcast_in_dim3A_318 = arith.constant 16 : i32
          %broadcast_in_dim3A_319 = vector.broadcast %broadcast_in_dim3A_318 : i32 to vector<16xi32>
          %shift_right_logical3A_320 = arith.shrui %bitcast3A_308, %broadcast_in_dim3A_319 : vector<16xi32>
          %broadcast_in_dim3A_321 = arith.constant 255 : i32
          %broadcast_in_dim3A_322 = vector.broadcast %broadcast_in_dim3A_321 : i32 to vector<16xi32>
          %and3A_323 = arith.andi %shift_right_logical3A_320, %broadcast_in_dim3A_322 : vector<16xi32>
          tpu.vector_store_idx %arg7[%and3A_323], %broadcast_in_dim3A_65 masked %and3A_317 {add = true} : memref<256xi32, #tpu.memory_space<vmem>>[vector<16xi32>], vector<16xi32>, vector<16xi1>
        }
        %scan3A_155 = arith.constant 1536 : i32
        %scan3A_156 = arith.constant 0 : i32
        %scan3A_157 = arith.constant false
        %scan3A_158 = arith.constant 0 : i32
        %scan3A_159 = arith.constant 0 : i32
        %scan3A_160 = arith.constant 0 : i32
        %scan3A_161 = arith.constant 16 : i32
        %scan3A_162 = arith.addi %scan3A_160, %scan3A_161 : i32
        %scan3A_163 = arith.constant 1 : i32
        %scan3A_164:4 = scf.for %scan3A_303 = %scan3A_160 to %scan3A_162 step %scan3A_163 iter_args(%scan3A_304 = %scan3A_156, %scan3A_305 = %scan3A_157, %scan3A_306 = %scan3A_158, %scan3A_307 = %scan3A_159) -> (i32, i1, i32, i32)  : i32 {
          %sub3A_308 = arith.constant 15 : i32
          %sub3A_309 = arith.subi %sub3A_308, %scan3A_303 : i32
          %mul3A_310 = arith.constant 16 : i32
          %mul3A_311 = arith.muli %sub3A_309, %mul3A_310 : i32
          %get3A_312 = arith.index_cast %mul3A_311 : i32 to index
          %get3A_313 = tpu.vector_load %arg7[%get3A_312] {strides = array<i32>} : memref<256xi32, #tpu.memory_space<vmem>>, vector<16xi32>,
          %reduce_sum3A_314 = arith.constant true
          %reduce_sum3A_315 = vector.broadcast %reduce_sum3A_314 : i1 to vector<16xi1>
          %reduce_sum3A_316 = tpu.scan <sum>, %get3A_313 masked %reduce_sum3A_315 : vector<16xi32>, vector<16xi1> -> vector<16xi32>
          %reduce_sum3A_317 = vector.extract %reduce_sum3A_316[15] : i32 from vector<16xi32>
          %broadcast_in_dim3A_318 = arith.constant true
          %broadcast_in_dim3A_319 = vector.broadcast %broadcast_in_dim3A_318 : i1 to vector<16xi1>
          %masked_cumsum3A = tpu.scan <sum>, %get3A_313 masked %broadcast_in_dim3A_319 : vector<16xi32>, vector<16xi1> -> vector<16xi32>
          %add3A_320 = arith.addi %scan3A_304, %reduce_sum3A_317 : i32
          %sub3A_321 = vector.broadcast %add3A_320 : i32 to vector<16xi32>
          %sub3A_322 = arith.subi %sub3A_321, %masked_cumsum3A : vector<16xi32>
          %not3A = arith.constant true
          %not3A_323 = arith.xori %scan3A_305, %not3A : i1
          %add3A_324 = arith.addi %scan3A_304, %reduce_sum3A_317 : i32
          %ge3A_325 = arith.cmpi sge, %add3A_324, %sub3A_113 : i32
          %and3A = arith.andi %not3A_323, %ge3A_325 : i1
          %lt3A = vector.broadcast %sub3A_113 : i32 to vector<16xi32>
          %lt3A_326 = arith.cmpi slt, %sub3A_322, %lt3A : vector<16xi32>
          %add3A_327 = arith.addi %sub3A_322, %get3A_313 : vector<16xi32>
          %ge3A_328 = vector.broadcast %sub3A_113 : i32 to vector<16xi32>
          %ge3A_329 = arith.cmpi sge, %add3A_327, %ge3A_328 : vector<16xi32>
          %and3A_330 = arith.andi %lt3A_326, %ge3A_329 : vector<16xi1>
          %and3A_331 = vector.broadcast %and3A : i1 to vector<16xi1>
          %and3A_332 = arith.andi %and3A_330, %and3A_331 : vector<16xi1>
          %select_n3A_333 = arith.select %and3A_332, %iota3A, %broadcast_in_dim3A_3 : vector<16xi1>, vector<16xi32>
          %reduce_sum3A_334 = arith.constant true
          %reduce_sum3A_335 = vector.broadcast %reduce_sum3A_334 : i1 to vector<16xi1>
          %reduce_sum3A_336 = tpu.scan <sum>, %select_n3A_333 masked %reduce_sum3A_335 : vector<16xi32>, vector<16xi1> -> vector<16xi32>
          %reduce_sum3A_337 = vector.extract %reduce_sum3A_336[15] : i32 from vector<16xi32>
          %select_n3A_338 = arith.select %and3A_332, %sub3A_322, %broadcast_in_dim3A_3 : vector<16xi1>, vector<16xi32>
          %reduce_sum3A_339 = arith.constant true
          %reduce_sum3A_340 = vector.broadcast %reduce_sum3A_339 : i1 to vector<16xi1>
          %reduce_sum3A_341 = tpu.scan <sum>, %select_n3A_338 masked %reduce_sum3A_340 : vector<16xi32>, vector<16xi1> -> vector<16xi32>
          %reduce_sum3A_342 = vector.extract %reduce_sum3A_341[15] : i32 from vector<16xi32>
          %mul3A_343 = arith.constant 16 : i32
          %mul3A_344 = arith.muli %sub3A_309, %mul3A_343 : i32
          %add3A_345 = arith.addi %mul3A_344, %reduce_sum3A_337 : i32
          %select_n3A_346 = arith.select %and3A, %add3A_345, %scan3A_306 : i32
          %select_n3A_347 = arith.select %and3A, %reduce_sum3A_342, %scan3A_307 : i32
          %add3A_348 = arith.addi %scan3A_304, %reduce_sum3A_317 : i32
          %select_n3A_349 = arith.select %and3A, %scan3A_304, %add3A_348 : i32
          %or3A = arith.ori %scan3A_305, %and3A : i1
          scf.yield %select_n3A_349, %or3A, %select_n3A_346, %select_n3A_347 : i32, i1, i32, i32
        }
        %scan3A_165 = arith.constant 16 : i32
        %sub3A_166 = arith.subi %sub3A_113, %scan3A_164#3 : i32
        %mul3A_167 = arith.constant 256 : i32
        %mul3A_168 = arith.muli %add3A_117, %mul3A_167 : i32
        %add3A_169 = arith.addi %mul3A_168, %scan3A_164#2 : i32
        %swap3A_170 = arith.constant 0 : index
        %swap3A_171 = tpu.vector_load %arg7[%swap3A_170] {strides = array<i32>} : memref<256xi32, #tpu.memory_space<vmem>>, vector<16xi32>,
        tpu.vector_store %arg7[%swap3A_170], %broadcast_in_dim3A_3 {strides = array<i32>} : memref<256xi32, #tpu.memory_space<vmem>>, vector<16xi32>,
        %swap3A_172 = arith.constant 16 : index
        %swap3A_173 = tpu.vector_load %arg7[%swap3A_172] {strides = array<i32>} : memref<256xi32, #tpu.memory_space<vmem>>, vector<16xi32>,
        tpu.vector_store %arg7[%swap3A_172], %broadcast_in_dim3A_3 {strides = array<i32>} : memref<256xi32, #tpu.memory_space<vmem>>, vector<16xi32>,
        %swap3A_174 = arith.constant 32 : index
        %swap3A_175 = tpu.vector_load %arg7[%swap3A_174] {strides = array<i32>} : memref<256xi32, #tpu.memory_space<vmem>>, vector<16xi32>,
        tpu.vector_store %arg7[%swap3A_174], %broadcast_in_dim3A_3 {strides = array<i32>} : memref<256xi32, #tpu.memory_space<vmem>>, vector<16xi32>,
        %swap3A_176 = arith.constant 48 : index
        %swap3A_177 = tpu.vector_load %arg7[%swap3A_176] {strides = array<i32>} : memref<256xi32, #tpu.memory_space<vmem>>, vector<16xi32>,
        tpu.vector_store %arg7[%swap3A_176], %broadcast_in_dim3A_3 {strides = array<i32>} : memref<256xi32, #tpu.memory_space<vmem>>, vector<16xi32>,
        %swap3A_178 = arith.constant 64 : index
        %swap3A_179 = tpu.vector_load %arg7[%swap3A_178] {strides = array<i32>} : memref<256xi32, #tpu.memory_space<vmem>>, vector<16xi32>,
        tpu.vector_store %arg7[%swap3A_178], %broadcast_in_dim3A_3 {strides = array<i32>} : memref<256xi32, #tpu.memory_space<vmem>>, vector<16xi32>,
        %swap3A_180 = arith.constant 80 : index
        %swap3A_181 = tpu.vector_load %arg7[%swap3A_180] {strides = array<i32>} : memref<256xi32, #tpu.memory_space<vmem>>, vector<16xi32>,
        tpu.vector_store %arg7[%swap3A_180], %broadcast_in_dim3A_3 {strides = array<i32>} : memref<256xi32, #tpu.memory_space<vmem>>, vector<16xi32>,
        %swap3A_182 = arith.constant 96 : index
        %swap3A_183 = tpu.vector_load %arg7[%swap3A_182] {strides = array<i32>} : memref<256xi32, #tpu.memory_space<vmem>>, vector<16xi32>,
        tpu.vector_store %arg7[%swap3A_182], %broadcast_in_dim3A_3 {strides = array<i32>} : memref<256xi32, #tpu.memory_space<vmem>>, vector<16xi32>,
        %swap3A_184 = arith.constant 112 : index
        %swap3A_185 = tpu.vector_load %arg7[%swap3A_184] {strides = array<i32>} : memref<256xi32, #tpu.memory_space<vmem>>, vector<16xi32>,
        tpu.vector_store %arg7[%swap3A_184], %broadcast_in_dim3A_3 {strides = array<i32>} : memref<256xi32, #tpu.memory_space<vmem>>, vector<16xi32>,
        %swap3A_186 = arith.constant 128 : index
        %swap3A_187 = tpu.vector_load %arg7[%swap3A_186] {strides = array<i32>} : memref<256xi32, #tpu.memory_space<vmem>>, vector<16xi32>,
        tpu.vector_store %arg7[%swap3A_186], %broadcast_in_dim3A_3 {strides = array<i32>} : memref<256xi32, #tpu.memory_space<vmem>>, vector<16xi32>,
        %swap3A_188 = arith.constant 144 : index
        %swap3A_189 = tpu.vector_load %arg7[%swap3A_188] {strides = array<i32>} : memref<256xi32, #tpu.memory_space<vmem>>, vector<16xi32>,
        tpu.vector_store %arg7[%swap3A_188], %broadcast_in_dim3A_3 {strides = array<i32>} : memref<256xi32, #tpu.memory_space<vmem>>, vector<16xi32>,
        %swap3A_190 = arith.constant 160 : index
        %swap3A_191 = tpu.vector_load %arg7[%swap3A_190] {strides = array<i32>} : memref<256xi32, #tpu.memory_space<vmem>>, vector<16xi32>,
        tpu.vector_store %arg7[%swap3A_190], %broadcast_in_dim3A_3 {strides = array<i32>} : memref<256xi32, #tpu.memory_space<vmem>>, vector<16xi32>,
        %swap3A_192 = arith.constant 176 : index
        %swap3A_193 = tpu.vector_load %arg7[%swap3A_192] {strides = array<i32>} : memref<256xi32, #tpu.memory_space<vmem>>, vector<16xi32>,
        tpu.vector_store %arg7[%swap3A_192], %broadcast_in_dim3A_3 {strides = array<i32>} : memref<256xi32, #tpu.memory_space<vmem>>, vector<16xi32>,
        %swap3A_194 = arith.constant 192 : index
        %swap3A_195 = tpu.vector_load %arg7[%swap3A_194] {strides = array<i32>} : memref<256xi32, #tpu.memory_space<vmem>>, vector<16xi32>,
        tpu.vector_store %arg7[%swap3A_194], %broadcast_in_dim3A_3 {strides = array<i32>} : memref<256xi32, #tpu.memory_space<vmem>>, vector<16xi32>,
        %swap3A_196 = arith.constant 208 : index
        %swap3A_197 = tpu.vector_load %arg7[%swap3A_196] {strides = array<i32>} : memref<256xi32, #tpu.memory_space<vmem>>, vector<16xi32>,
        tpu.vector_store %arg7[%swap3A_196], %broadcast_in_dim3A_3 {strides = array<i32>} : memref<256xi32, #tpu.memory_space<vmem>>, vector<16xi32>,
        %swap3A_198 = arith.constant 224 : index
        %swap3A_199 = tpu.vector_load %arg7[%swap3A_198] {strides = array<i32>} : memref<256xi32, #tpu.memory_space<vmem>>, vector<16xi32>,
        tpu.vector_store %arg7[%swap3A_198], %broadcast_in_dim3A_3 {strides = array<i32>} : memref<256xi32, #tpu.memory_space<vmem>>, vector<16xi32>,
        %swap3A_200 = arith.constant 240 : index
        %swap3A_201 = tpu.vector_load %arg7[%swap3A_200] {strides = array<i32>} : memref<256xi32, #tpu.memory_space<vmem>>, vector<16xi32>,
        tpu.vector_store %arg7[%swap3A_200], %broadcast_in_dim3A_3 {strides = array<i32>} : memref<256xi32, #tpu.memory_space<vmem>>, vector<16xi32>,
        %scan3A_202 = arith.constant 0 : i32
        %scan3A_203 = arith.constant 0 : i32
        %scan3A_204 = arith.constant 1536 : i32
        %scan3A_205 = arith.addi %scan3A_203, %scan3A_204 : i32
        %scan3A_206 = arith.constant 1 : i32
        scf.for %scan3A_303 = %scan3A_203 to %scan3A_205 step %scan3A_206  : i32 {
          %mul3A_304 = arith.constant 16 : i32
          %mul3A_305 = arith.muli %scan3A_303, %mul3A_304 : i32
          %get3A_306 = arith.index_cast %mul3A_305 : i32 to index
          %get3A_307 = tpu.vector_load %arg5[%get3A_306] {strides = array<i32>} : memref<24576xf32, #tpu.memory_space<vmem>>, vector<16xf32>,
          %bitcast3A_308 = vector.bitcast %get3A_307 : vector<16xf32> to vector<16xi32>
          %and3A = arith.andi %bitcast3A_308, %broadcast_in_dim3A_5 : vector<16xi32>
          %bitcast3A_309 = vector.bitcast %and3A : vector<16xi32> to vector<16xf32>
          %ge3A_310 = arith.constant 0 : i32
          %ge3A_311 = vector.broadcast %ge3A_310 : i32 to vector<16xi32>
          %ge3A_312 = arith.cmpi sge, %bitcast3A_308, %ge3A_311 : vector<16xi32>
          %broadcast_in_dim3A_313 = arith.constant 16 : i32
          %broadcast_in_dim3A_314 = vector.broadcast %broadcast_in_dim3A_313 : i32 to vector<16xi32>
          %shift_right_logical3A = arith.shrui %bitcast3A_308, %broadcast_in_dim3A_314 : vector<16xi32>
          %eq3A_315 = vector.broadcast %add3A_169 : i32 to vector<16xi32>
          %eq3A_316 = arith.cmpi eq, %shift_right_logical3A, %eq3A_315 : vector<16xi32>
          %and3A_317 = arith.andi %ge3A_312, %eq3A_316 : vector<16xi1>
          %broadcast_in_dim3A_318 = arith.constant 8 : i32
          %broadcast_in_dim3A_319 = vector.broadcast %broadcast_in_dim3A_318 : i32 to vector<16xi32>
          %shift_right_logical3A_320 = arith.shrui %bitcast3A_308, %broadcast_in_dim3A_319 : vector<16xi32>
          %broadcast_in_dim3A_321 = arith.constant 255 : i32
          %broadcast_in_dim3A_322 = vector.broadcast %broadcast_in_dim3A_321 : i32 to vector<16xi32>
          %and3A_323 = arith.andi %shift_right_logical3A_320, %broadcast_in_dim3A_322 : vector<16xi32>
          tpu.vector_store_idx %arg7[%and3A_323], %broadcast_in_dim3A_65 masked %and3A_317 {add = true} : memref<256xi32, #tpu.memory_space<vmem>>[vector<16xi32>], vector<16xi32>, vector<16xi1>
        }
        %scan3A_207 = arith.constant 1536 : i32
        %scan3A_208 = arith.constant 0 : i32
        %scan3A_209 = arith.constant false
        %scan3A_210 = arith.constant 0 : i32
        %scan3A_211 = arith.constant 0 : i32
        %scan3A_212 = arith.constant 0 : i32
        %scan3A_213 = arith.constant 16 : i32
        %scan3A_214 = arith.addi %scan3A_212, %scan3A_213 : i32
        %scan3A_215 = arith.constant 1 : i32
        %scan3A_216:4 = scf.for %scan3A_303 = %scan3A_212 to %scan3A_214 step %scan3A_215 iter_args(%scan3A_304 = %scan3A_208, %scan3A_305 = %scan3A_209, %scan3A_306 = %scan3A_210, %scan3A_307 = %scan3A_211) -> (i32, i1, i32, i32)  : i32 {
          %sub3A_308 = arith.constant 15 : i32
          %sub3A_309 = arith.subi %sub3A_308, %scan3A_303 : i32
          %mul3A_310 = arith.constant 16 : i32
          %mul3A_311 = arith.muli %sub3A_309, %mul3A_310 : i32
          %get3A_312 = arith.index_cast %mul3A_311 : i32 to index
          %get3A_313 = tpu.vector_load %arg7[%get3A_312] {strides = array<i32>} : memref<256xi32, #tpu.memory_space<vmem>>, vector<16xi32>,
          %reduce_sum3A_314 = arith.constant true
          %reduce_sum3A_315 = vector.broadcast %reduce_sum3A_314 : i1 to vector<16xi1>
          %reduce_sum3A_316 = tpu.scan <sum>, %get3A_313 masked %reduce_sum3A_315 : vector<16xi32>, vector<16xi1> -> vector<16xi32>
          %reduce_sum3A_317 = vector.extract %reduce_sum3A_316[15] : i32 from vector<16xi32>
          %broadcast_in_dim3A_318 = arith.constant true
          %broadcast_in_dim3A_319 = vector.broadcast %broadcast_in_dim3A_318 : i1 to vector<16xi1>
          %masked_cumsum3A = tpu.scan <sum>, %get3A_313 masked %broadcast_in_dim3A_319 : vector<16xi32>, vector<16xi1> -> vector<16xi32>
          %add3A_320 = arith.addi %scan3A_304, %reduce_sum3A_317 : i32
          %sub3A_321 = vector.broadcast %add3A_320 : i32 to vector<16xi32>
          %sub3A_322 = arith.subi %sub3A_321, %masked_cumsum3A : vector<16xi32>
          %not3A = arith.constant true
          %not3A_323 = arith.xori %scan3A_305, %not3A : i1
          %add3A_324 = arith.addi %scan3A_304, %reduce_sum3A_317 : i32
          %ge3A_325 = arith.cmpi sge, %add3A_324, %sub3A_166 : i32
          %and3A = arith.andi %not3A_323, %ge3A_325 : i1
          %lt3A = vector.broadcast %sub3A_166 : i32 to vector<16xi32>
          %lt3A_326 = arith.cmpi slt, %sub3A_322, %lt3A : vector<16xi32>
          %add3A_327 = arith.addi %sub3A_322, %get3A_313 : vector<16xi32>
          %ge3A_328 = vector.broadcast %sub3A_166 : i32 to vector<16xi32>
          %ge3A_329 = arith.cmpi sge, %add3A_327, %ge3A_328 : vector<16xi32>
          %and3A_330 = arith.andi %lt3A_326, %ge3A_329 : vector<16xi1>
          %and3A_331 = vector.broadcast %and3A : i1 to vector<16xi1>
          %and3A_332 = arith.andi %and3A_330, %and3A_331 : vector<16xi1>
          %select_n3A_333 = arith.select %and3A_332, %iota3A, %broadcast_in_dim3A_3 : vector<16xi1>, vector<16xi32>
          %reduce_sum3A_334 = arith.constant true
          %reduce_sum3A_335 = vector.broadcast %reduce_sum3A_334 : i1 to vector<16xi1>
          %reduce_sum3A_336 = tpu.scan <sum>, %select_n3A_333 masked %reduce_sum3A_335 : vector<16xi32>, vector<16xi1> -> vector<16xi32>
          %reduce_sum3A_337 = vector.extract %reduce_sum3A_336[15] : i32 from vector<16xi32>
          %select_n3A_338 = arith.select %and3A_332, %sub3A_322, %broadcast_in_dim3A_3 : vector<16xi1>, vector<16xi32>
          %reduce_sum3A_339 = arith.constant true
          %reduce_sum3A_340 = vector.broadcast %reduce_sum3A_339 : i1 to vector<16xi1>
          %reduce_sum3A_341 = tpu.scan <sum>, %select_n3A_338 masked %reduce_sum3A_340 : vector<16xi32>, vector<16xi1> -> vector<16xi32>
          %reduce_sum3A_342 = vector.extract %reduce_sum3A_341[15] : i32 from vector<16xi32>
          %mul3A_343 = arith.constant 16 : i32
          %mul3A_344 = arith.muli %sub3A_309, %mul3A_343 : i32
          %add3A_345 = arith.addi %mul3A_344, %reduce_sum3A_337 : i32
          %select_n3A_346 = arith.select %and3A, %add3A_345, %scan3A_306 : i32
          %select_n3A_347 = arith.select %and3A, %reduce_sum3A_342, %scan3A_307 : i32
          %add3A_348 = arith.addi %scan3A_304, %reduce_sum3A_317 : i32
          %select_n3A_349 = arith.select %and3A, %scan3A_304, %add3A_348 : i32
          %or3A = arith.ori %scan3A_305, %and3A : i1
          scf.yield %select_n3A_349, %or3A, %select_n3A_346, %select_n3A_347 : i32, i1, i32, i32
        }
        %scan3A_217 = arith.constant 16 : i32
        %sub3A_218 = arith.subi %sub3A_166, %scan3A_216#3 : i32
        %mul3A_219 = arith.constant 256 : i32
        %mul3A_220 = arith.muli %add3A_169, %mul3A_219 : i32
        %add3A_221 = arith.addi %mul3A_220, %scan3A_216#2 : i32
        %swap3A_222 = arith.constant 0 : index
        %swap3A_223 = tpu.vector_load %arg7[%swap3A_222] {strides = array<i32>} : memref<256xi32, #tpu.memory_space<vmem>>, vector<16xi32>,
        tpu.vector_store %arg7[%swap3A_222], %broadcast_in_dim3A_3 {strides = array<i32>} : memref<256xi32, #tpu.memory_space<vmem>>, vector<16xi32>,
        %swap3A_224 = arith.constant 16 : index
        %swap3A_225 = tpu.vector_load %arg7[%swap3A_224] {strides = array<i32>} : memref<256xi32, #tpu.memory_space<vmem>>, vector<16xi32>,
        tpu.vector_store %arg7[%swap3A_224], %broadcast_in_dim3A_3 {strides = array<i32>} : memref<256xi32, #tpu.memory_space<vmem>>, vector<16xi32>,
        %swap3A_226 = arith.constant 32 : index
        %swap3A_227 = tpu.vector_load %arg7[%swap3A_226] {strides = array<i32>} : memref<256xi32, #tpu.memory_space<vmem>>, vector<16xi32>,
        tpu.vector_store %arg7[%swap3A_226], %broadcast_in_dim3A_3 {strides = array<i32>} : memref<256xi32, #tpu.memory_space<vmem>>, vector<16xi32>,
        %swap3A_228 = arith.constant 48 : index
        %swap3A_229 = tpu.vector_load %arg7[%swap3A_228] {strides = array<i32>} : memref<256xi32, #tpu.memory_space<vmem>>, vector<16xi32>,
        tpu.vector_store %arg7[%swap3A_228], %broadcast_in_dim3A_3 {strides = array<i32>} : memref<256xi32, #tpu.memory_space<vmem>>, vector<16xi32>,
        %swap3A_230 = arith.constant 64 : index
        %swap3A_231 = tpu.vector_load %arg7[%swap3A_230] {strides = array<i32>} : memref<256xi32, #tpu.memory_space<vmem>>, vector<16xi32>,
        tpu.vector_store %arg7[%swap3A_230], %broadcast_in_dim3A_3 {strides = array<i32>} : memref<256xi32, #tpu.memory_space<vmem>>, vector<16xi32>,
        %swap3A_232 = arith.constant 80 : index
        %swap3A_233 = tpu.vector_load %arg7[%swap3A_232] {strides = array<i32>} : memref<256xi32, #tpu.memory_space<vmem>>, vector<16xi32>,
        tpu.vector_store %arg7[%swap3A_232], %broadcast_in_dim3A_3 {strides = array<i32>} : memref<256xi32, #tpu.memory_space<vmem>>, vector<16xi32>,
        %swap3A_234 = arith.constant 96 : index
        %swap3A_235 = tpu.vector_load %arg7[%swap3A_234] {strides = array<i32>} : memref<256xi32, #tpu.memory_space<vmem>>, vector<16xi32>,
        tpu.vector_store %arg7[%swap3A_234], %broadcast_in_dim3A_3 {strides = array<i32>} : memref<256xi32, #tpu.memory_space<vmem>>, vector<16xi32>,
        %swap3A_236 = arith.constant 112 : index
        %swap3A_237 = tpu.vector_load %arg7[%swap3A_236] {strides = array<i32>} : memref<256xi32, #tpu.memory_space<vmem>>, vector<16xi32>,
        tpu.vector_store %arg7[%swap3A_236], %broadcast_in_dim3A_3 {strides = array<i32>} : memref<256xi32, #tpu.memory_space<vmem>>, vector<16xi32>,
        %swap3A_238 = arith.constant 128 : index
        %swap3A_239 = tpu.vector_load %arg7[%swap3A_238] {strides = array<i32>} : memref<256xi32, #tpu.memory_space<vmem>>, vector<16xi32>,
        tpu.vector_store %arg7[%swap3A_238], %broadcast_in_dim3A_3 {strides = array<i32>} : memref<256xi32, #tpu.memory_space<vmem>>, vector<16xi32>,
        %swap3A_240 = arith.constant 144 : index
        %swap3A_241 = tpu.vector_load %arg7[%swap3A_240] {strides = array<i32>} : memref<256xi32, #tpu.memory_space<vmem>>, vector<16xi32>,
        tpu.vector_store %arg7[%swap3A_240], %broadcast_in_dim3A_3 {strides = array<i32>} : memref<256xi32, #tpu.memory_space<vmem>>, vector<16xi32>,
        %swap3A_242 = arith.constant 160 : index
        %swap3A_243 = tpu.vector_load %arg7[%swap3A_242] {strides = array<i32>} : memref<256xi32, #tpu.memory_space<vmem>>, vector<16xi32>,
        tpu.vector_store %arg7[%swap3A_242], %broadcast_in_dim3A_3 {strides = array<i32>} : memref<256xi32, #tpu.memory_space<vmem>>, vector<16xi32>,
        %swap3A_244 = arith.constant 176 : index
        %swap3A_245 = tpu.vector_load %arg7[%swap3A_244] {strides = array<i32>} : memref<256xi32, #tpu.memory_space<vmem>>, vector<16xi32>,
        tpu.vector_store %arg7[%swap3A_244], %broadcast_in_dim3A_3 {strides = array<i32>} : memref<256xi32, #tpu.memory_space<vmem>>, vector<16xi32>,
        %swap3A_246 = arith.constant 192 : index
        %swap3A_247 = tpu.vector_load %arg7[%swap3A_246] {strides = array<i32>} : memref<256xi32, #tpu.memory_space<vmem>>, vector<16xi32>,
        tpu.vector_store %arg7[%swap3A_246], %broadcast_in_dim3A_3 {strides = array<i32>} : memref<256xi32, #tpu.memory_space<vmem>>, vector<16xi32>,
        %swap3A_248 = arith.constant 208 : index
        %swap3A_249 = tpu.vector_load %arg7[%swap3A_248] {strides = array<i32>} : memref<256xi32, #tpu.memory_space<vmem>>, vector<16xi32>,
        tpu.vector_store %arg7[%swap3A_248], %broadcast_in_dim3A_3 {strides = array<i32>} : memref<256xi32, #tpu.memory_space<vmem>>, vector<16xi32>,
        %swap3A_250 = arith.constant 224 : index
        %swap3A_251 = tpu.vector_load %arg7[%swap3A_250] {strides = array<i32>} : memref<256xi32, #tpu.memory_space<vmem>>, vector<16xi32>,
        tpu.vector_store %arg7[%swap3A_250], %broadcast_in_dim3A_3 {strides = array<i32>} : memref<256xi32, #tpu.memory_space<vmem>>, vector<16xi32>,
        %swap3A_252 = arith.constant 240 : index
        %swap3A_253 = tpu.vector_load %arg7[%swap3A_252] {strides = array<i32>} : memref<256xi32, #tpu.memory_space<vmem>>, vector<16xi32>,
        tpu.vector_store %arg7[%swap3A_252], %broadcast_in_dim3A_3 {strides = array<i32>} : memref<256xi32, #tpu.memory_space<vmem>>, vector<16xi32>,
        %scan3A_254 = arith.constant 0 : i32
        %scan3A_255 = arith.constant 0 : i32
        %scan3A_256 = arith.constant 1536 : i32
        %scan3A_257 = arith.addi %scan3A_255, %scan3A_256 : i32
        %scan3A_258 = arith.constant 1 : i32
        scf.for %scan3A_303 = %scan3A_255 to %scan3A_257 step %scan3A_258  : i32 {
          %mul3A_304 = arith.constant 16 : i32
          %mul3A_305 = arith.muli %scan3A_303, %mul3A_304 : i32
          %get3A_306 = arith.index_cast %mul3A_305 : i32 to index
          %get3A_307 = tpu.vector_load %arg5[%get3A_306] {strides = array<i32>} : memref<24576xf32, #tpu.memory_space<vmem>>, vector<16xf32>,
          %bitcast3A_308 = vector.bitcast %get3A_307 : vector<16xf32> to vector<16xi32>
          %and3A = arith.andi %bitcast3A_308, %broadcast_in_dim3A_5 : vector<16xi32>
          %bitcast3A_309 = vector.bitcast %and3A : vector<16xi32> to vector<16xf32>
          %ge3A_310 = arith.constant 0 : i32
          %ge3A_311 = vector.broadcast %ge3A_310 : i32 to vector<16xi32>
          %ge3A_312 = arith.cmpi sge, %bitcast3A_308, %ge3A_311 : vector<16xi32>
          %broadcast_in_dim3A_313 = arith.constant 8 : i32
          %broadcast_in_dim3A_314 = vector.broadcast %broadcast_in_dim3A_313 : i32 to vector<16xi32>
          %shift_right_logical3A = arith.shrui %bitcast3A_308, %broadcast_in_dim3A_314 : vector<16xi32>
          %eq3A_315 = vector.broadcast %add3A_221 : i32 to vector<16xi32>
          %eq3A_316 = arith.cmpi eq, %shift_right_logical3A, %eq3A_315 : vector<16xi32>
          %and3A_317 = arith.andi %ge3A_312, %eq3A_316 : vector<16xi1>
          %broadcast_in_dim3A_318 = arith.constant 0 : i32
          %broadcast_in_dim3A_319 = vector.broadcast %broadcast_in_dim3A_318 : i32 to vector<16xi32>
          %shift_right_logical3A_320 = arith.shrui %bitcast3A_308, %broadcast_in_dim3A_319 : vector<16xi32>
          %broadcast_in_dim3A_321 = arith.constant 255 : i32
          %broadcast_in_dim3A_322 = vector.broadcast %broadcast_in_dim3A_321 : i32 to vector<16xi32>
          %and3A_323 = arith.andi %shift_right_logical3A_320, %broadcast_in_dim3A_322 : vector<16xi32>
          tpu.vector_store_idx %arg7[%and3A_323], %broadcast_in_dim3A_65 masked %and3A_317 {add = true} : memref<256xi32, #tpu.memory_space<vmem>>[vector<16xi32>], vector<16xi32>, vector<16xi1>
        }
        %scan3A_259 = arith.constant 1536 : i32
        %scan3A_260 = arith.constant 0 : i32
        %scan3A_261 = arith.constant false
        %scan3A_262 = arith.constant 0 : i32
        %scan3A_263 = arith.constant 0 : i32
        %scan3A_264 = arith.constant 0 : i32
        %scan3A_265 = arith.constant 16 : i32
        %scan3A_266 = arith.addi %scan3A_264, %scan3A_265 : i32
        %scan3A_267 = arith.constant 1 : i32
        %scan3A_268:4 = scf.for %scan3A_303 = %scan3A_264 to %scan3A_266 step %scan3A_267 iter_args(%scan3A_304 = %scan3A_260, %scan3A_305 = %scan3A_261, %scan3A_306 = %scan3A_262, %scan3A_307 = %scan3A_263) -> (i32, i1, i32, i32)  : i32 {
          %sub3A_308 = arith.constant 15 : i32
          %sub3A_309 = arith.subi %sub3A_308, %scan3A_303 : i32
          %mul3A_310 = arith.constant 16 : i32
          %mul3A_311 = arith.muli %sub3A_309, %mul3A_310 : i32
          %get3A_312 = arith.index_cast %mul3A_311 : i32 to index
          %get3A_313 = tpu.vector_load %arg7[%get3A_312] {strides = array<i32>} : memref<256xi32, #tpu.memory_space<vmem>>, vector<16xi32>,
          %reduce_sum3A_314 = arith.constant true
          %reduce_sum3A_315 = vector.broadcast %reduce_sum3A_314 : i1 to vector<16xi1>
          %reduce_sum3A_316 = tpu.scan <sum>, %get3A_313 masked %reduce_sum3A_315 : vector<16xi32>, vector<16xi1> -> vector<16xi32>
          %reduce_sum3A_317 = vector.extract %reduce_sum3A_316[15] : i32 from vector<16xi32>
          %broadcast_in_dim3A_318 = arith.constant true
          %broadcast_in_dim3A_319 = vector.broadcast %broadcast_in_dim3A_318 : i1 to vector<16xi1>
          %masked_cumsum3A = tpu.scan <sum>, %get3A_313 masked %broadcast_in_dim3A_319 : vector<16xi32>, vector<16xi1> -> vector<16xi32>
          %add3A_320 = arith.addi %scan3A_304, %reduce_sum3A_317 : i32
          %sub3A_321 = vector.broadcast %add3A_320 : i32 to vector<16xi32>
          %sub3A_322 = arith.subi %sub3A_321, %masked_cumsum3A : vector<16xi32>
          %not3A = arith.constant true
          %not3A_323 = arith.xori %scan3A_305, %not3A : i1
          %add3A_324 = arith.addi %scan3A_304, %reduce_sum3A_317 : i32
          %ge3A_325 = arith.cmpi sge, %add3A_324, %sub3A_218 : i32
          %and3A = arith.andi %not3A_323, %ge3A_325 : i1
          %lt3A = vector.broadcast %sub3A_218 : i32 to vector<16xi32>
          %lt3A_326 = arith.cmpi slt, %sub3A_322, %lt3A : vector<16xi32>
          %add3A_327 = arith.addi %sub3A_322, %get3A_313 : vector<16xi32>
          %ge3A_328 = vector.broadcast %sub3A_218 : i32 to vector<16xi32>
          %ge3A_329 = arith.cmpi sge, %add3A_327, %ge3A_328 : vector<16xi32>
          %and3A_330 = arith.andi %lt3A_326, %ge3A_329 : vector<16xi1>
          %and3A_331 = vector.broadcast %and3A : i1 to vector<16xi1>
          %and3A_332 = arith.andi %and3A_330, %and3A_331 : vector<16xi1>
          %select_n3A_333 = arith.select %and3A_332, %iota3A, %broadcast_in_dim3A_3 : vector<16xi1>, vector<16xi32>
          %reduce_sum3A_334 = arith.constant true
          %reduce_sum3A_335 = vector.broadcast %reduce_sum3A_334 : i1 to vector<16xi1>
          %reduce_sum3A_336 = tpu.scan <sum>, %select_n3A_333 masked %reduce_sum3A_335 : vector<16xi32>, vector<16xi1> -> vector<16xi32>
          %reduce_sum3A_337 = vector.extract %reduce_sum3A_336[15] : i32 from vector<16xi32>
          %select_n3A_338 = arith.select %and3A_332, %sub3A_322, %broadcast_in_dim3A_3 : vector<16xi1>, vector<16xi32>
          %reduce_sum3A_339 = arith.constant true
          %reduce_sum3A_340 = vector.broadcast %reduce_sum3A_339 : i1 to vector<16xi1>
          %reduce_sum3A_341 = tpu.scan <sum>, %select_n3A_338 masked %reduce_sum3A_340 : vector<16xi32>, vector<16xi1> -> vector<16xi32>
          %reduce_sum3A_342 = vector.extract %reduce_sum3A_341[15] : i32 from vector<16xi32>
          %mul3A_343 = arith.constant 16 : i32
          %mul3A_344 = arith.muli %sub3A_309, %mul3A_343 : i32
          %add3A_345 = arith.addi %mul3A_344, %reduce_sum3A_337 : i32
          %select_n3A_346 = arith.select %and3A, %add3A_345, %scan3A_306 : i32
          %select_n3A_347 = arith.select %and3A, %reduce_sum3A_342, %scan3A_307 : i32
          %add3A_348 = arith.addi %scan3A_304, %reduce_sum3A_317 : i32
          %select_n3A_349 = arith.select %and3A, %scan3A_304, %add3A_348 : i32
          %or3A = arith.ori %scan3A_305, %and3A : i1
          scf.yield %select_n3A_349, %or3A, %select_n3A_346, %select_n3A_347 : i32, i1, i32, i32
        }
        %scan3A_269 = arith.constant 16 : i32
        %sub3A_270 = arith.subi %sub3A_218, %scan3A_268#3 : i32
        %mul3A_271 = arith.constant 256 : i32
        %mul3A_272 = arith.muli %add3A_221, %mul3A_271 : i32
        %add3A_273 = arith.addi %mul3A_272, %scan3A_268#2 : i32
        %broadcast_in_dim3A_274 = vector.broadcast %add3A_273 : i32 to vector<16xi32>
        %bitcast3A = vector.bitcast %broadcast_in_dim3A_274 : vector<16xi32> to vector<16xf32>
        %eq3A_275 = arith.constant 0 : i32
        %eq3A_276 = vector.broadcast %eq3A_275 : i32 to vector<16xi32>
        %eq3A_277 = arith.cmpi eq, %iota3A, %eq3A_276 : vector<16xi32>
        %broadcast_in_dim3A_278 = arith.constant 0.000000e+00 : f32
        %broadcast_in_dim3A_279 = vector.broadcast %broadcast_in_dim3A_278 : f32 to vector<16xf32>
        %select_n3A_280 = arith.select %eq3A_277, %bitcast3A, %broadcast_in_dim3A_279 : vector<16xi1>, vector<16xf32>
        %reduce_sum3A_281 = arith.constant true
        %reduce_sum3A_282 = vector.broadcast %reduce_sum3A_281 : i1 to vector<16xi1>
        %reduce_sum3A_283 = tpu.scan <sum>, %select_n3A_280 masked %reduce_sum3A_282 : vector<16xf32>, vector<16xi1> -> vector<16xf32>
        %reduce_sum3A_284 = vector.extract %reduce_sum3A_283[15] : f32 from vector<16xf32>
        %scan3A_285 = arith.constant 0 : i32
        %scan3A_286 = arith.constant 1536 : i32
        %scan3A_287 = arith.addi %scan3A_285, %scan3A_286 : i32
        %scan3A_288 = arith.constant 1 : i32
        %scan3A_289:2 = scf.for %scan3A_303 = %scan3A_285 to %scan3A_287 step %scan3A_288 iter_args(%scan3A_304 = %broadcast_in_dim3A_1, %scan3A_305 = %broadcast_in_dim3A_3) -> (vector<16xf32>, vector<16xi32>)  : i32 {
          %mul3A_306 = arith.constant 16 : i32
          %mul3A_307 = arith.muli %scan3A_303, %mul3A_306 : i32
          %get3A_308 = arith.index_cast %mul3A_307 : i32 to index
          %get3A_309 = tpu.vector_load %arg5[%get3A_308] {strides = array<i32>} : memref<24576xf32, #tpu.memory_space<vmem>>, vector<16xf32>,
          %bitcast3A_310 = vector.bitcast %get3A_309 : vector<16xf32> to vector<16xi32>
          %and3A = arith.andi %bitcast3A_310, %broadcast_in_dim3A_5 : vector<16xi32>
          %bitcast3A_311 = vector.bitcast %and3A : vector<16xi32> to vector<16xf32>
          %gt3A = vector.broadcast %add3A_273 : i32 to vector<16xi32>
          %gt3A_312 = arith.cmpi sgt, %bitcast3A_310, %gt3A : vector<16xi32>
          %select_n3A_313 = arith.select %gt3A_312, %bitcast3A_311, %broadcast_in_dim3A_1 : vector<16xi1>, vector<16xf32>
          %add3A_314 = arith.addf %scan3A_304, %select_n3A_313 : vector<16xf32>
          %select_n3A_315 = arith.select %gt3A_312, %broadcast_in_dim3A_65, %broadcast_in_dim3A_3 : vector<16xi1>, vector<16xi32>
          %add3A_316 = arith.addi %scan3A_305, %select_n3A_315 : vector<16xi32>
          scf.yield %add3A_314, %add3A_316 : vector<16xf32>, vector<16xi32>
        }
        %scan3A_290 = arith.constant 1536 : i32
        %reduce_sum3A_291 = arith.constant true
        %reduce_sum3A_292 = vector.broadcast %reduce_sum3A_291 : i1 to vector<16xi1>
        %reduce_sum3A_293 = tpu.scan <sum>, %scan3A_289#0 masked %reduce_sum3A_292 : vector<16xf32>, vector<16xi1> -> vector<16xf32>
        %reduce_sum3A_294 = vector.extract %reduce_sum3A_293[15] : f32 from vector<16xf32>
        %reduce_sum3A_295 = arith.constant true
        %reduce_sum3A_296 = vector.broadcast %reduce_sum3A_295 : i1 to vector<16xi1>
        %reduce_sum3A_297 = tpu.scan <sum>, %scan3A_289#1 masked %reduce_sum3A_296 : vector<16xi32>, vector<16xi1> -> vector<16xi32>
        %reduce_sum3A_298 = vector.extract %reduce_sum3A_297[15] : i32 from vector<16xi32>
        %sub3A_299 = arith.subi %min3A, %reduce_sum3A_298 : i32
        %convert_element_type3A_300 = arith.sitofp %sub3A_299 : i32 to f32
        %mul3A_301 = arith.mulf %convert_element_type3A_300, %reduce_sum3A_284 : f32
        %add3A_302 = arith.addf %reduce_sum3A_294, %mul3A_301 : f32
        scf.yield %add3A_302 : f32
      }
      scf.yield %cond3A_63 : f32
    }
    %add3A_51 = arith.addf %cond3A_50, %cond3A_44 : f32
    %eq3A_52 = arith.constant 0 : i32
    %eq3A_53 = vector.broadcast %eq3A_52 : i32 to vector<16xi32>
    %eq3A_54 = arith.cmpi eq, %iota3A, %eq3A_53 : vector<16xi32>
    %broadcast_in_dim3A_55 = vector.broadcast %add3A_51 : f32 to vector<16xf32>
    %select_n3A_56 = arith.select %eq3A_54, %broadcast_in_dim3A_55, %broadcast_in_dim3A_1 : vector<16xi1>, vector<16xf32>
    %swap3A = arith.constant 0 : index
    %swap3A_57 = tpu.vector_load %arg8[%swap3A] {strides = array<i32>} : memref<16xf32, #tpu.memory_space<vmem>>, vector<16xf32>,
    tpu.vector_store %arg8[%swap3A], %select_n3A_56 {strides = array<i32>} : memref<16xf32, #tpu.memory_space<vmem>>, vector<16xf32>,
    "tpu.region"() ({
      %run_scoped3A = tpu.sem_alloc : memref<!tpu.dma_semaphore, #tpu.memory_space<semaphore_mem>>
      %dma_start3A = arith.constant 0 : i32
      %dma_start3A_58 = tpu.memref_slice %arg4[%add3A, %dma_start3A] : memref<32x16xf32, #tpu.memory_space<hbm>> -> memref<1x16xf32, #tpu.memory_space<hbm>>
      %dma_start3A_59 = tpu.memref_squeeze %dma_start3A_58 : memref<1x16xf32, #tpu.memory_space<hbm>> -> memref<16xf32, #tpu.memory_space<hbm>>
      %dma_start3A_60 = arith.constant 0 : i32
      %dma_start3A_61 = tpu.memref_slice %arg4[%add3A, %dma_start3A_60] : memref<32x16xf32, #tpu.memory_space<hbm>> -> memref<1x16xf32, #tpu.memory_space<hbm>>
      %dma_start3A_62 = tpu.memref_squeeze %dma_start3A_61 : memref<1x16xf32, #tpu.memory_space<hbm>> -> memref<16xf32, #tpu.memory_space<hbm>>
      tpu.enqueue_dma source(%arg8 : memref<16xf32, #tpu.memory_space<vmem>>) target(%dma_start3A_62 : memref<16xf32, #tpu.memory_space<hbm>>) target_semaphore(%run_scoped3A : memref<!tpu.dma_semaphore, #tpu.memory_space<semaphore_mem>>)
      %dma_wait3A = arith.constant 0 : i32
      %dma_wait3A_63 = tpu.memref_slice %arg4[%add3A, %dma_wait3A] : memref<32x16xf32, #tpu.memory_space<hbm>> -> memref<1x16xf32, #tpu.memory_space<hbm>>
      %dma_wait3A_64 = tpu.memref_squeeze %dma_wait3A_63 : memref<1x16xf32, #tpu.memory_space<hbm>> -> memref<16xf32, #tpu.memory_space<hbm>>
      %dma_wait3A_65 = arith.constant 0 : i32
      %dma_wait3A_66 = tpu.memref_slice %arg4[%add3A, %dma_wait3A_65] : memref<32x16xf32, #tpu.memory_space<hbm>> -> memref<1x16xf32, #tpu.memory_space<hbm>>
      %dma_wait3A_67 = tpu.memref_squeeze %dma_wait3A_66 : memref<1x16xf32, #tpu.memory_space<hbm>> -> memref<16xf32, #tpu.memory_space<hbm>>
      tpu.wait_dma2 semaphore(%run_scoped3A : memref<!tpu.dma_semaphore, #tpu.memory_space<semaphore_mem>>) src(%arg8 : memref<16xf32, #tpu.memory_space<vmem>>) dst(%dma_wait3A_67 : memref<16xf32, #tpu.memory_space<hbm>>)
      tpu.yield
    }) : () -> ()
    return
  }
}

module attributes {stable_mosaic.version = 14 : i64} {
  func.func @_conf_body(%arg0: i32, %arg1: i32, %arg2: memref<8x4x2048xf32, #tpu.memory_space<vmem>>, %arg3: memref<81x8x2048xf32, #tpu.memory_space<vmem>>, %arg4: memref<8x4x2048xf32, #tpu.memory_space<vmem>>, %arg5: memref<81x8x2048xf32, #tpu.memory_space<vmem>>, %arg6: memref<8x2048xf32, #tpu.memory_space<vmem>>, %arg7: memref<1x8x128xf32, #tpu.memory_space<vmem>>) attributes {dimension_semantics = [#tpu.dimension_semantics<arbitrary>, #tpu.dimension_semantics<arbitrary>], iteration_bounds = array<i64: 4, 12>, scalar_prefetch = 0 : i64, scratch_operands = 0 : i64, tpu.core_type = #tpu.core_type<tc>, window_params = [{transform_indices = @transform_0, window_bounds = array<i64: 8, 4, 2048>}, {transform_indices = @transform_1, window_bounds = array<i64: 81, 8, 2048>}, {transform_indices = @transform_2, window_bounds = array<i64: 8, 4, 2048>}, {transform_indices = @transform_3, window_bounds = array<i64: 81, 8, 2048>}, {transform_indices = @transform_4, window_bounds = array<i64: 8, 2048>}, {transform_indices = @transform_5, window_bounds = array<i64: 1, 8, 128>}]} {
    %broadcast_in_dim3A = arith.constant 0.000000e+00 : f32
    %broadcast_in_dim3A_0 = vector.broadcast %broadcast_in_dim3A : f32 to vector<8x2048xf32>
    %scan3A = arith.constant 0 : i32
    %scan3A_1 = arith.constant 81 : i32
    %scan3A_2 = arith.addi %scan3A, %scan3A_1 : i32
    %scan3A_3 = arith.constant 1 : i32
    %scan3A_4:3 = scf.for %scan3A_117 = %scan3A to %scan3A_2 step %scan3A_3 iter_args(%scan3A_118 = %broadcast_in_dim3A_0, %scan3A_119 = %broadcast_in_dim3A_0, %scan3A_120 = %broadcast_in_dim3A_0) -> (vector<8x2048xf32>, vector<8x2048xf32>, vector<8x2048xf32>)  : i32 {
      %get3A_121 = arith.index_cast %scan3A_117 : i32 to index
      %get3A_122 = arith.constant 0 : index
      %get3A_123 = arith.constant 0 : index
      %get3A_124 = vector.load %arg5[%get3A_121, %get3A_122, %get3A_123] : memref<81x8x2048xf32, #tpu.memory_space<vmem>>, vector<1x8x2048xf32>
      %get3A_125 = vector.shape_cast %get3A_124 : vector<1x8x2048xf32> to vector<8x2048xf32>
      %get3A_126 = arith.index_cast %scan3A_117 : i32 to index
      %get3A_127 = arith.constant 0 : index
      %get3A_128 = arith.constant 0 : index
      %get3A_129 = vector.load %arg3[%get3A_126, %get3A_127, %get3A_128] : memref<81x8x2048xf32, #tpu.memory_space<vmem>>, vector<1x8x2048xf32>
      %get3A_130 = vector.shape_cast %get3A_129 : vector<1x8x2048xf32> to vector<8x2048xf32>
      %exp3A = math.exp %get3A_125 : vector<8x2048xf32>
      %add3A_131 = arith.addf %scan3A_118, %exp3A : vector<8x2048xf32>
      %add3A_132 = arith.addf %scan3A_119, %get3A_130 : vector<8x2048xf32>
      %mul3A_133 = arith.mulf %get3A_130, %get3A_125 : vector<8x2048xf32>
      %add3A_134 = arith.addf %scan3A_120, %mul3A_133 : vector<8x2048xf32>
      scf.yield %add3A_131, %add3A_132, %add3A_134 : vector<8x2048xf32>, vector<8x2048xf32>, vector<8x2048xf32>
    }
    %scan3A_5 = arith.constant 81 : i32
    %log3A = math.log %scan3A_4#0 : vector<8x2048xf32>
    %mul3A = arith.mulf %log3A, %scan3A_4#1 : vector<8x2048xf32>
    %sub3A = arith.subf %mul3A, %scan3A_4#2 : vector<8x2048xf32>
    %mul3A_6 = arith.constant 2048 : i32
    %mul3A_7 = arith.muli %arg1, %mul3A_6 : i32
    %iota3A = tpu.iota {dimensions = array<i32: 1>} : vector<1x2048xi32>
    %add3A = vector.broadcast %mul3A_7 : i32 to vector<1x2048xi32>
    %add3A_8 = arith.addi %add3A, %iota3A : vector<1x2048xi32>
    %lt3A = arith.constant 24564 : i32
    %lt3A_9 = vector.broadcast %lt3A : i32 to vector<1x2048xi32>
    %lt3A_10 = arith.cmpi slt, %add3A_8, %lt3A_9 : vector<1x2048xi32>
    %jit3A = arith.constant 0.000000e+00 : f32
    %broadcast_in_dim3A_11 = vector.shape_cast %lt3A_10 : vector<1x2048xi1> to vector<1x2048xi1>
    %broadcast_in_dim3A_12 = vector.broadcast %broadcast_in_dim3A_11 : vector<1x2048xi1> to vector<8x2048xi1>
    %broadcast_in_dim3A_13 = vector.broadcast %jit3A : f32 to vector<8x2048xf32>
    %select_n3A = arith.select %broadcast_in_dim3A_12, %sub3A, %broadcast_in_dim3A_13 : vector<8x2048xi1>, vector<8x2048xf32>
    %max3A = arith.constant 0.000000e+00 : f32
    %max3A_14 = vector.broadcast %max3A : f32 to vector<8x2048xf32>
    %max3A_15 = arith.maximumf %select_n3A, %max3A_14 : vector<8x2048xf32>
    %get3A = arith.constant 0 : index
    %get3A_16 = arith.constant 0 : index
    %get3A_17 = arith.constant 0 : index
    %get3A_18 = vector.load %arg2[%get3A, %get3A_16, %get3A_17] : memref<8x4x2048xf32, #tpu.memory_space<vmem>>, vector<8x4x2048xf32>
    %get3A_19 = arith.constant 0 : index
    %get3A_20 = arith.constant 0 : index
    %get3A_21 = arith.constant 0 : index
    %get3A_22 = vector.load %arg4[%get3A_19, %get3A_20, %get3A_21] : memref<8x4x2048xf32, #tpu.memory_space<vmem>>, vector<8x4x2048xf32>
    %abs3A = math.absf %get3A_18 : vector<8x4x2048xf32>
    %reduce_sum3A = arith.constant dense<0.000000e+00> : vector<8x2048xf32>
    %reduce_sum3A_23 = vector.multi_reduction <add>, %abs3A, %reduce_sum3A [1] : vector<8x4x2048xf32> to vector<8x2048xf32>
    %gt3A = arith.constant 0.000000e+00 : f32
    %gt3A_24 = vector.broadcast %gt3A : f32 to vector<8x2048xf32>
    %gt3A_25 = arith.cmpf ogt, %reduce_sum3A_23, %gt3A_24 : vector<8x2048xf32>
    %and3A = vector.broadcast %lt3A_10 : vector<1x2048xi1> to vector<8x2048xi1>
    %and3A_26 = arith.andi %gt3A_25, %and3A : vector<8x2048xi1>
    %convert_element_type3A = arith.extui %and3A_26 : vector<8x2048xi1> to vector<8x2048xi32>
    %convert_element_type3A_27 = arith.sitofp %convert_element_type3A : vector<8x2048xi32> to vector<8x2048xf32>
    %not3A = arith.constant dense<true> : vector<1x2048xi1>
    %not3A_28 = arith.xori %lt3A_10, %not3A : vector<1x2048xi1>
    %or3A = vector.broadcast %not3A_28 : vector<1x2048xi1> to vector<8x2048xi1>
    %or3A_29 = arith.ori %and3A_26, %or3A : vector<8x2048xi1>
    %neg3A = arith.constant 0.000000e+00 : f32
    %neg3A_30 = vector.broadcast %neg3A : f32 to vector<8x2048xf32>
    %neg3A_31 = arith.subf %neg3A_30, %max3A_15 : vector<8x2048xf32>
    %select_n3A_32 = arith.select %or3A_29, %neg3A_31, %max3A_15 : vector<8x2048xi1>, vector<8x2048xf32>
    %swap3A = arith.constant 0 : index
    %swap3A_33 = arith.constant 0 : index
    %swap3A_34 = vector.load %arg6[%swap3A, %swap3A_33] : memref<8x2048xf32, #tpu.memory_space<vmem>>, vector<8x2048xf32>
    tpu.vector_store %arg6[%swap3A, %swap3A_33], %select_n3A_32 {strides = array<i32>} : memref<8x2048xf32, #tpu.memory_space<vmem>>, vector<8x2048xf32>,
    %sub3A_35 = arith.subf %get3A_18, %get3A_22 : vector<8x4x2048xf32>
    %abs3A_36 = math.absf %sub3A_35 : vector<8x4x2048xf32>
    %le3A = arith.constant 1.000000e+00 : f32
    %le3A_37 = vector.broadcast %le3A : f32 to vector<8x4x2048xf32>
    %le3A_38 = arith.cmpf ole, %abs3A_36, %le3A_37 : vector<8x4x2048xf32>
    %mul3A_39 = arith.constant 5.000000e-01 : f32
    %mul3A_40 = vector.broadcast %mul3A_39 : f32 to vector<8x4x2048xf32>
    %mul3A_41 = arith.mulf %mul3A_40, %sub3A_35 : vector<8x4x2048xf32>
    %mul3A_42 = arith.mulf %mul3A_41, %sub3A_35 : vector<8x4x2048xf32>
    %sub3A_43 = arith.constant 5.000000e-01 : f32
    %sub3A_44 = vector.broadcast %sub3A_43 : f32 to vector<8x4x2048xf32>
    %sub3A_45 = arith.subf %abs3A_36, %sub3A_44 : vector<8x4x2048xf32>
    %select_n3A_46 = arith.select %le3A_38, %mul3A_42, %sub3A_45 : vector<8x4x2048xi1>, vector<8x4x2048xf32>
    %reduce_sum3A_47 = arith.constant dense<0.000000e+00> : vector<8x2048xf32>
    %reduce_sum3A_48 = vector.multi_reduction <add>, %select_n3A_46, %reduce_sum3A_47 [1] : vector<8x4x2048xf32> to vector<8x2048xf32>
    %mul3A_49 = arith.constant 2.500000e-01 : f32
    %mul3A_50 = vector.broadcast %mul3A_49 : f32 to vector<8x2048xf32>
    %mul3A_51 = arith.mulf %reduce_sum3A_48, %mul3A_50 : vector<8x2048xf32>
    %reduce_sum3A_52 = arith.constant dense<0.000000e+00> : vector<8xf32>
    %reduce_sum3A_53 = vector.multi_reduction <add>, %convert_element_type3A_27, %reduce_sum3A_52 [1] : vector<8x2048xf32> to vector<8xf32>
    %broadcast_in_dim3A_54 = vector.shape_cast %reduce_sum3A_53 : vector<8xf32> to vector<8x1xf32>
    %jit3A_55 = arith.constant 0.000000e+00 : f32
    %broadcast_in_dim3A_56 = vector.broadcast %jit3A_55 : f32 to vector<8x2048xf32>
    %select_n3A_57 = arith.select %and3A_26, %mul3A_51, %broadcast_in_dim3A_56 : vector<8x2048xi1>, vector<8x2048xf32>
    %reduce_sum3A_58 = arith.constant dense<0.000000e+00> : vector<8xf32>
    %reduce_sum3A_59 = vector.multi_reduction <add>, %select_n3A_57, %reduce_sum3A_58 [1] : vector<8x2048xf32> to vector<8xf32>
    %broadcast_in_dim3A_60 = vector.shape_cast %reduce_sum3A_59 : vector<8xf32> to vector<8x1xf32>
    %jit3A_61 = arith.constant 0.000000e+00 : f32
    %broadcast_in_dim3A_62 = vector.broadcast %jit3A_61 : f32 to vector<8x2048xf32>
    %select_n3A_63 = arith.select %and3A_26, %max3A_15, %broadcast_in_dim3A_62 : vector<8x2048xi1>, vector<8x2048xf32>
    %reduce_sum3A_64 = arith.constant dense<0.000000e+00> : vector<8xf32>
    %reduce_sum3A_65 = vector.multi_reduction <add>, %select_n3A_63, %reduce_sum3A_64 [1] : vector<8x2048xf32> to vector<8xf32>
    %broadcast_in_dim3A_66 = vector.shape_cast %reduce_sum3A_65 : vector<8xf32> to vector<8x1xf32>
    %jit3A_67 = arith.constant 0.000000e+00 : f32
    %broadcast_in_dim3A_68 = vector.broadcast %jit3A_67 : f32 to vector<8x2048xf32>
    %select_n3A_69 = arith.select %and3A_26, %broadcast_in_dim3A_68, %max3A_15 : vector<8x2048xi1>, vector<8x2048xf32>
    %reduce_sum3A_70 = arith.constant dense<0.000000e+00> : vector<8xf32>
    %reduce_sum3A_71 = vector.multi_reduction <add>, %select_n3A_69, %reduce_sum3A_70 [1] : vector<8x2048xf32> to vector<8xf32>
    %broadcast_in_dim3A_72 = vector.shape_cast %reduce_sum3A_71 : vector<8xf32> to vector<8x1xf32>
    %iota3A_73 = tpu.iota {dimensions = array<i32: 1>} : vector<8x128xi32>
    %eq3A = arith.constant 0 : i32
    %eq3A_74 = vector.broadcast %eq3A : i32 to vector<8x128xi32>
    %eq3A_75 = arith.cmpi eq, %iota3A_73, %eq3A_74 : vector<8x128xi32>
    %jit3A_76 = arith.constant 0.000000e+00 : f32
    %broadcast_in_dim3A_77 = vector.shape_cast %broadcast_in_dim3A_54 : vector<8x1xf32> to vector<8x1xf32>
    %broadcast_in_dim3A_78 = vector.broadcast %broadcast_in_dim3A_77 : vector<8x1xf32> to vector<8x128xf32>
    %broadcast_in_dim3A_79 = vector.broadcast %jit3A_76 : f32 to vector<8x128xf32>
    %select_n3A_80 = arith.select %eq3A_75, %broadcast_in_dim3A_78, %broadcast_in_dim3A_79 : vector<8x128xi1>, vector<8x128xf32>
    %eq3A_81 = arith.constant 1 : i32
    %eq3A_82 = vector.broadcast %eq3A_81 : i32 to vector<8x128xi32>
    %eq3A_83 = arith.cmpi eq, %iota3A_73, %eq3A_82 : vector<8x128xi32>
    %jit3A_84 = arith.constant 0.000000e+00 : f32
    %broadcast_in_dim3A_85 = vector.shape_cast %broadcast_in_dim3A_60 : vector<8x1xf32> to vector<8x1xf32>
    %broadcast_in_dim3A_86 = vector.broadcast %broadcast_in_dim3A_85 : vector<8x1xf32> to vector<8x128xf32>
    %broadcast_in_dim3A_87 = vector.broadcast %jit3A_84 : f32 to vector<8x128xf32>
    %select_n3A_88 = arith.select %eq3A_83, %broadcast_in_dim3A_86, %broadcast_in_dim3A_87 : vector<8x128xi1>, vector<8x128xf32>
    %add3A_89 = arith.addf %select_n3A_80, %select_n3A_88 : vector<8x128xf32>
    %eq3A_90 = arith.constant 2 : i32
    %eq3A_91 = vector.broadcast %eq3A_90 : i32 to vector<8x128xi32>
    %eq3A_92 = arith.cmpi eq, %iota3A_73, %eq3A_91 : vector<8x128xi32>
    %jit3A_93 = arith.constant 0.000000e+00 : f32
    %broadcast_in_dim3A_94 = vector.shape_cast %broadcast_in_dim3A_66 : vector<8x1xf32> to vector<8x1xf32>
    %broadcast_in_dim3A_95 = vector.broadcast %broadcast_in_dim3A_94 : vector<8x1xf32> to vector<8x128xf32>
    %broadcast_in_dim3A_96 = vector.broadcast %jit3A_93 : f32 to vector<8x128xf32>
    %select_n3A_97 = arith.select %eq3A_92, %broadcast_in_dim3A_95, %broadcast_in_dim3A_96 : vector<8x128xi1>, vector<8x128xf32>
    %add3A_98 = arith.addf %add3A_89, %select_n3A_97 : vector<8x128xf32>
    %eq3A_99 = arith.constant 3 : i32
    %eq3A_100 = vector.broadcast %eq3A_99 : i32 to vector<8x128xi32>
    %eq3A_101 = arith.cmpi eq, %iota3A_73, %eq3A_100 : vector<8x128xi32>
    %jit3A_102 = arith.constant 0.000000e+00 : f32
    %broadcast_in_dim3A_103 = vector.shape_cast %broadcast_in_dim3A_72 : vector<8x1xf32> to vector<8x1xf32>
    %broadcast_in_dim3A_104 = vector.broadcast %broadcast_in_dim3A_103 : vector<8x1xf32> to vector<8x128xf32>
    %broadcast_in_dim3A_105 = vector.broadcast %jit3A_102 : f32 to vector<8x128xf32>
    %select_n3A_106 = arith.select %eq3A_101, %broadcast_in_dim3A_104, %broadcast_in_dim3A_105 : vector<8x128xi1>, vector<8x128xf32>
    %add3A_107 = arith.addf %add3A_98, %select_n3A_106 : vector<8x128xf32>
    %eq3A_108 = arith.constant 0 : i32
    %eq3A_109 = arith.cmpi eq, %arg1, %eq3A_108 : i32
    %convert_element_type3A_110 = arith.extui %eq3A_109 : i1 to i32
    %cond3A = arith.constant 0 : i32
    %cond3A_111 = arith.cmpi ne, %convert_element_type3A_110, %cond3A : i32
    scf.if %cond3A_111 {
      %swap3A_117 = arith.constant 0 : index
      %swap3A_118 = arith.constant 0 : index
      %swap3A_119 = arith.constant 0 : index
      %swap3A_120 = vector.load %arg7[%swap3A_117, %swap3A_118, %swap3A_119] : memref<1x8x128xf32, #tpu.memory_space<vmem>>, vector<1x8x128xf32>
      %swap3A_121 = vector.shape_cast %swap3A_120 : vector<1x8x128xf32> to vector<8x128xf32>
      %swap3A_122 = vector.shape_cast %add3A_107 : vector<8x128xf32> to vector<1x8x128xf32>
      tpu.vector_store %arg7[%swap3A_117, %swap3A_118, %swap3A_119], %swap3A_122 {strides = array<i32>} : memref<1x8x128xf32, #tpu.memory_space<vmem>>, vector<1x8x128xf32>,
    } else {
    }
    %gt3A_112 = arith.constant 0 : i32
    %gt3A_113 = arith.cmpi sgt, %arg1, %gt3A_112 : i32
    %convert_element_type3A_114 = arith.extui %gt3A_113 : i1 to i32
    %cond3A_115 = arith.constant 0 : i32
    %cond3A_116 = arith.cmpi ne, %convert_element_type3A_114, %cond3A_115 : i32
    scf.if %cond3A_116 {
      %get3A_117 = arith.constant 0 : index
      %get3A_118 = arith.constant 0 : index
      %get3A_119 = arith.constant 0 : index
      %get3A_120 = vector.load %arg7[%get3A_117, %get3A_118, %get3A_119] : memref<1x8x128xf32, #tpu.memory_space<vmem>>, vector<1x8x128xf32>
      %get3A_121 = vector.shape_cast %get3A_120 : vector<1x8x128xf32> to vector<8x128xf32>
      %add3A_122 = arith.addf %get3A_121, %add3A_107 : vector<8x128xf32>
      %swap3A_123 = arith.constant 0 : index
      %swap3A_124 = arith.constant 0 : index
      %swap3A_125 = arith.constant 0 : index
      %swap3A_126 = vector.load %arg7[%swap3A_123, %swap3A_124, %swap3A_125] : memref<1x8x128xf32, #tpu.memory_space<vmem>>, vector<1x8x128xf32>
      %swap3A_127 = vector.shape_cast %swap3A_126 : vector<1x8x128xf32> to vector<8x128xf32>
      %swap3A_128 = vector.shape_cast %add3A_122 : vector<8x128xf32> to vector<1x8x128xf32>
      tpu.vector_store %arg7[%swap3A_123, %swap3A_124, %swap3A_125], %swap3A_128 {strides = array<i32>} : memref<1x8x128xf32, #tpu.memory_space<vmem>>, vector<1x8x128xf32>,
    } else {
    }
    return
  }
  func.func @transform_0(%arg0: i32, %arg1: i32) -> (i32, i32, i32) {
    %c0_i32 = arith.constant 0 : i32
    %c0_i32_0 = arith.constant 0 : i32
    return %arg0, %c0_i32, %arg1 : i32, i32, i32
  }
  func.func @transform_1(%arg0: i32, %arg1: i32) -> (i32, i32, i32) {
    %c0_i32 = arith.constant 0 : i32
    %c0_i32_0 = arith.constant 0 : i32
    return %c0_i32, %arg0, %arg1 : i32, i32, i32
  }
  func.func @transform_2(%arg0: i32, %arg1: i32) -> (i32, i32, i32) {
    %c0_i32 = arith.constant 0 : i32
    %c0_i32_0 = arith.constant 0 : i32
    return %arg0, %c0_i32, %arg1 : i32, i32, i32
  }
  func.func @transform_3(%arg0: i32, %arg1: i32) -> (i32, i32, i32) {
    %c0_i32 = arith.constant 0 : i32
    %c0_i32_0 = arith.constant 0 : i32
    return %c0_i32, %arg0, %arg1 : i32, i32, i32
  }
  func.func @transform_4(%arg0: i32, %arg1: i32) -> (i32, i32) {
    %c0_i32 = arith.constant 0 : i32
    return %arg0, %arg1 : i32, i32
  }
  func.func @transform_5(%arg0: i32, %arg1: i32) -> (i32, i32, i32) {
    %c0_i32 = arith.constant 0 : i32
    %c0_i32_0 = arith.constant 0 : i32
    %c0_i32_1 = arith.constant 0 : i32
    return %arg0, %c0_i32, %c0_i32_0 : i32, i32, i32
  }
}

module attributes {stable_mosaic.version = 14 : i64} {
  func.func @_final_body(%arg0: memref<32x128xf32, #tpu.memory_space<vmem>>, %arg1: memref<32x16xf32, #tpu.memory_space<vmem>>, %arg2: memref<1x1xf32, #tpu.memory_space<vmem>>, %arg3: memref<1x1xf32, #tpu.memory_space<vmem>>) attributes {dimension_semantics = [], scalar_prefetch = 0 : i64, scratch_operands = 0 : i64, tpu.core_type = #tpu.core_type<tc>} {
    %get3A = arith.constant 0 : index
    %get3A_0 = arith.constant 0 : index
    %get3A_1 = vector.load %arg0[%get3A, %get3A_0] : memref<32x128xf32, #tpu.memory_space<vmem>>, vector<32x128xf32>
    %iota3A = tpu.iota {dimensions = array<i32: 1>} : vector<32x128xi32>
    %eq3A = arith.constant 0 : i32
    %eq3A_2 = vector.broadcast %eq3A : i32 to vector<32x128xi32>
    %eq3A_3 = arith.cmpi eq, %iota3A, %eq3A_2 : vector<32x128xi32>
    %jit3A = arith.constant 0.000000e+00 : f32
    %broadcast_in_dim3A = vector.broadcast %jit3A : f32 to vector<32x128xf32>
    %select_n3A = arith.select %eq3A_3, %get3A_1, %broadcast_in_dim3A : vector<32x128xi1>, vector<32x128xf32>
    %reduce_sum3A = vector.shape_cast %select_n3A : vector<32x128xf32> to vector<1x32x128xf32>
    %reduce_sum3A_4 = arith.constant dense<0.000000e+00> : vector<1xf32>
    %reduce_sum3A_5 = vector.multi_reduction <add>, %reduce_sum3A, %reduce_sum3A_4 [1, 2] : vector<1x32x128xf32> to vector<1xf32>
    %reduce_sum3A_6 = vector.shape_cast %reduce_sum3A_5 : vector<1xf32> to vector<1x1x1xf32>
    %reduce_sum3A_7 = vector.extract %reduce_sum3A_6[0, 0, 0] : f32 from vector<1x1x1xf32>
    %eq3A_8 = arith.constant 1 : i32
    %eq3A_9 = vector.broadcast %eq3A_8 : i32 to vector<32x128xi32>
    %eq3A_10 = arith.cmpi eq, %iota3A, %eq3A_9 : vector<32x128xi32>
    %jit3A_11 = arith.constant 0.000000e+00 : f32
    %broadcast_in_dim3A_12 = vector.broadcast %jit3A_11 : f32 to vector<32x128xf32>
    %select_n3A_13 = arith.select %eq3A_10, %get3A_1, %broadcast_in_dim3A_12 : vector<32x128xi1>, vector<32x128xf32>
    %reduce_sum3A_14 = vector.shape_cast %select_n3A_13 : vector<32x128xf32> to vector<1x32x128xf32>
    %reduce_sum3A_15 = arith.constant dense<0.000000e+00> : vector<1xf32>
    %reduce_sum3A_16 = vector.multi_reduction <add>, %reduce_sum3A_14, %reduce_sum3A_15 [1, 2] : vector<1x32x128xf32> to vector<1xf32>
    %reduce_sum3A_17 = vector.shape_cast %reduce_sum3A_16 : vector<1xf32> to vector<1x1x1xf32>
    %reduce_sum3A_18 = vector.extract %reduce_sum3A_17[0, 0, 0] : f32 from vector<1x1x1xf32>
    %eq3A_19 = arith.constant 2 : i32
    %eq3A_20 = vector.broadcast %eq3A_19 : i32 to vector<32x128xi32>
    %eq3A_21 = arith.cmpi eq, %iota3A, %eq3A_20 : vector<32x128xi32>
    %jit3A_22 = arith.constant 0.000000e+00 : f32
    %broadcast_in_dim3A_23 = vector.broadcast %jit3A_22 : f32 to vector<32x128xf32>
    %select_n3A_24 = arith.select %eq3A_21, %get3A_1, %broadcast_in_dim3A_23 : vector<32x128xi1>, vector<32x128xf32>
    %reduce_sum3A_25 = vector.shape_cast %select_n3A_24 : vector<32x128xf32> to vector<1x32x128xf32>
    %reduce_sum3A_26 = arith.constant dense<0.000000e+00> : vector<1xf32>
    %reduce_sum3A_27 = vector.multi_reduction <add>, %reduce_sum3A_25, %reduce_sum3A_26 [1, 2] : vector<1x32x128xf32> to vector<1xf32>
    %reduce_sum3A_28 = vector.shape_cast %reduce_sum3A_27 : vector<1xf32> to vector<1x1x1xf32>
    %reduce_sum3A_29 = vector.extract %reduce_sum3A_28[0, 0, 0] : f32 from vector<1x1x1xf32>
    %get3A_30 = arith.constant 0 : index
    %get3A_31 = arith.constant 0 : index
    %get3A_32 = vector.load %arg1[%get3A_30, %get3A_31] : memref<32x16xf32, #tpu.memory_space<vmem>>, vector<32x16xf32>
    %iota3A_33 = tpu.iota {dimensions = array<i32: 1>} : vector<32x16xi32>
    %eq3A_34 = arith.constant 0 : i32
    %eq3A_35 = vector.broadcast %eq3A_34 : i32 to vector<32x16xi32>
    %eq3A_36 = arith.cmpi eq, %iota3A_33, %eq3A_35 : vector<32x16xi32>
    %jit3A_37 = arith.constant 0.000000e+00 : f32
    %broadcast_in_dim3A_38 = vector.broadcast %jit3A_37 : f32 to vector<32x16xf32>
    %select_n3A_39 = arith.select %eq3A_36, %get3A_32, %broadcast_in_dim3A_38 : vector<32x16xi1>, vector<32x16xf32>
    %reduce_sum3A_40 = vector.shape_cast %select_n3A_39 : vector<32x16xf32> to vector<1x32x16xf32>
    %reduce_sum3A_41 = arith.constant dense<0.000000e+00> : vector<1xf32>
    %reduce_sum3A_42 = vector.multi_reduction <add>, %reduce_sum3A_40, %reduce_sum3A_41 [1, 2] : vector<1x32x16xf32> to vector<1xf32>
    %reduce_sum3A_43 = vector.shape_cast %reduce_sum3A_42 : vector<1xf32> to vector<1x1x1xf32>
    %reduce_sum3A_44 = vector.extract %reduce_sum3A_43[0, 0, 0] : f32 from vector<1x1x1xf32>
    %ne3A = arith.constant 0.000000e+00 : f32
    %ne3A_45 = arith.cmpf one, %reduce_sum3A_7, %ne3A : f32
    %mul3A = arith.constant 1.000000e+00 : f32
    %mul3A_46 = arith.mulf %reduce_sum3A_18, %mul3A : f32
    %max3A = arith.constant 1.000000e+00 : f32
    %max3A_47 = arith.maximumf %reduce_sum3A_7, %max3A : f32
    %div3A = arith.divf %mul3A_46, %max3A_47 : f32
    %jit3A_48 = arith.constant 0.000000e+00 : f32
    %select_n3A_49 = arith.select %ne3A_45, %div3A, %jit3A_48 : f32
    %add3A = arith.addf %reduce_sum3A_29, %reduce_sum3A_44 : f32
    %max3A_50 = arith.constant 1.000000e+00 : f32
    %max3A_51 = arith.maximumf %reduce_sum3A_7, %max3A_50 : f32
    %div3A_52 = arith.divf %add3A, %max3A_51 : f32
    %jit3A_53 = arith.constant 0.000000e+00 : f32
    %select_n3A_54 = arith.select %ne3A_45, %div3A_52, %jit3A_53 : f32
    %broadcast_in_dim3A_55 = arith.constant 0.000000e+00 : f32
    %broadcast_in_dim3A_56 = vector.broadcast %broadcast_in_dim3A_55 : f32 to vector<1x1xf32>
    %add3A_57 = vector.broadcast %select_n3A_49 : f32 to vector<1x1xf32>
    %add3A_58 = arith.addf %broadcast_in_dim3A_56, %add3A_57 : vector<1x1xf32>
    %swap3A = arith.constant 0 : index
    %swap3A_59 = arith.constant 0 : index
    %swap3A_60 = vector.load %arg2[%swap3A, %swap3A_59] : memref<1x1xf32, #tpu.memory_space<vmem>>, vector<1x1xf32>
    tpu.vector_store %arg2[%swap3A, %swap3A_59], %add3A_58 {strides = array<i32>} : memref<1x1xf32, #tpu.memory_space<vmem>>, vector<1x1xf32>,
    %broadcast_in_dim3A_61 = arith.constant 0.000000e+00 : f32
    %broadcast_in_dim3A_62 = vector.broadcast %broadcast_in_dim3A_61 : f32 to vector<1x1xf32>
    %add3A_63 = vector.broadcast %select_n3A_54 : f32 to vector<1x1xf32>
    %add3A_64 = arith.addf %broadcast_in_dim3A_62, %add3A_63 : vector<1x1xf32>
    %swap3A_65 = arith.constant 0 : index
    %swap3A_66 = arith.constant 0 : index
    %swap3A_67 = vector.load %arg3[%swap3A_65, %swap3A_66] : memref<1x1xf32, #tpu.memory_space<vmem>>, vector<1x1xf32>
    tpu.vector_store %arg3[%swap3A_65, %swap3A_66], %add3A_64 {strides = array<i32>} : memref<1x1xf32, #tpu.memory_space<vmem>>, vector<1x1xf32>,
    return
  }
}

</mosaic_0001>

<sc_bundles>
// kernel: kernel.5.cloned.1.call-start
scs
__scs_entry_jumppad:
0x0: {  	(pc) =	sbr.rel $0x88, $3  }
0x1: {  	(tag) =	ssettag $0x0;
	lr =	simm.s32 $0x1  }
0x2: {  	[smem:$0x3F9D] =	sst lr;
	_ =	strace $0xD0000000  }
0x3: {  	_ = 	snop  }
0x4: {  	_ = 	snop  }
0x5: {  	_ = 	snop  }
0x6: {  	_ = 	snop  }
0x7: {  	_ = 	snop  }
__scs_overlays_trampoline_lowered:
0x8: {  	[smem:$0x3FAC] =	sst s0  }
0x9: {  	[smem:$0x3FAD] =	sst s1  }
0xa: {  	[smem:$0x3FAE] =	sst s2  }
0xb: {  	[smem:$0x3FAF] =	sst s3  }
0xc: {  	[smem:$0x3FB0] =	sst s4  }
0xd: {  	[smem:$0x3FB1] =	sst s5  }
0xe: {  	[smem:$0x3FB2] =	sst s6  }
0xf: {  	[smem:$0x3FB3] =	sst s7  }
0x10: {  	[smem:$0x3FB4] =	sst s8  }
0x11: {  	[smem:$0x3FB5] =	sst s9;
	s0 =	simm.s32 @!p0 $0x0  }
0x12: {  	s1 =	sld [smem:$0x3F9B];
	s0 =	simm.s32 @p0 $0x1  }
0x13: {  	[smem:$0x3FB6] =	sst s0;
	s0 =	simm.s32 @!p1 $0x0  }
0x14: {  	s2 =	sld [smem:$0x3F9A];
	s0 =	simm.s32 @p1 $0x1  }
0x15: {  	[smem:$0x3FB7] =	sst s0;
	s0 =	simm.s32 @!p2 $0x0  }
0x16: {  	s3 =	sld [smem:$0x3FDB];
	s0 =	simm.s32 @p2 $0x1  }
0x17: {  	s4 =	simm.s32 $0x1BF5;
	[smem:$0x3FB9] =	sst s0  }
0x18: {  	s0 =	sld [smem:$0x3F9C];
	_ =	swait.ge [sflag:s4], $0x0  }
0x19: {  	s7 =	sld [smem:$0x3F9D]  }
0x1a: {  	s8 =	sadd.s32 $0xFFFFE003, lr  }
0x1b: {  	s9 =	sadd.s32 $0xFFFFFEF7, lr;
	s5 =	simm.s32 $0xFFFFFFFF;
	p2 =	slt.u32 s8, $0xFFFFF086  }
0x1c: {  	p1 =	slt.u32 s9, $0xF7A;
	s5 =	simm.s32 @!p2 $0x0  }
0x1d: {  	s5 =	simm.s32 @p1 $0x1;
	p0 =	seq.s32 s7, s2  }
0x1e: {  	s7 =	smul.u32 @!p0 $0xF7A, s2;
	p2 =	seq.s32 @!p0 s5, $0x0  }
0x1f: {  	s9 =	smul.u32 $0xF7A, s1;
	s8 =	simm.s32 @!p0 $0x1BF5;
	p2 =	por !p2, p0  }
0x20: {  	[sflag:s8] =	ssyncset.s32 @!p0 $0xFFFFF086;
	s6 =	sadd.s32 @!p0 s3, s7;
	s7 =	simm.s32 @!p0 $0x108  }
0x21: {  	s3 =	sadd.s32 s3, s9;
	s6 =	sadd.s32 @!p0 $0x88, s6;
	s7 =	simm.s32 @p2 $0x1082  }
0x22: {  	[simem:s7], [sflag:s8] =	dma.local @!p0 [hbm:s6], $0xF7A  }
0x23: {  	s9 =	sor.u32 $0xD0000000, s2;
	s6 =	simm.s32 $0x108;
	_ =	swait.ge @!p0 [sflag:s8], $0x0  }
0x24: {  	s3 =	sadd.s32 $0x88, s3;
	s6 =	simm.s32 @!p1 $0x1082;
	[sflag:s4] =	ssyncset.s32 $0xFFFFF086  }
0x25: {  	[simem:s6], [sflag:s4] =	dma.local [hbm:s3], $0xF7A  }
0x26: {  	[smem:$0x3F9D] =	sst s1;
	(tag) =	ssettag s2;
	_ =	strace s9  }
0x27: {  	s1 =	sld [smem:$0x3FAD]  }
0x28: {  	s2 =	sld [smem:$0x3FAE]  }
0x29: {  	s4 =	sld [smem:$0x3FB0]  }
0x2a: {  	p0 =	seq.s32 s5, $0x0;
	s5 =	sld [smem:$0x3FB1]  }
0x2b: {  	s6 =	sld [smem:$0x3FB2]  }
0x2c: {  	s7 =	sld [smem:$0x3FB3]  }
0x2d: {  	s3 =	simm.s32 $0x108;
	s8 =	sld [smem:$0x3FB4]  }
0x2e: {  	s3 =	simm.s32 @!p0 $0x1082;
	s9 =	sld [smem:$0x3FB5]  }
0x2f: {  	lr =	sadd.s32 s0, s3;
	s0 =	sld [smem:$0x3FAC]  }
0x30: {  	s3 =	sld [smem:$0x3FAF]  }
0x31: {  	[smem:$0x3FB8] =	sst s10  }
0x32: {  	s10 =	sld [smem:$0x3FB6];
	_ =	sdelay $0x3  }
0x33: {  	p0 =	seq.s32 s10, $0x1;
	s10 =	sld [smem:$0x3FB8];
	_ =	sdelay $0x3  }
0x34: {  	[smem:$0x3FB8] =	sst s10  }
0x35: {  	s10 =	sld [smem:$0x3FB7];
	_ =	sdelay $0x3  }
0x36: {  	p1 =	seq.s32 s10, $0x1;
	s10 =	sld [smem:$0x3FB8];
	_ =	sdelay $0x3  }
0x37: {  	[smem:$0x3FB8] =	sst s10  }
0x38: {  	s10 =	sld [smem:$0x3FB9]  }
0x39: {  	_ = 	snop;
	(pc) =	sbr.ind lr, $3  }
0x3a: {  	_ = 	snop  }
0x3b: {  	_ = 	snop  }
0x3c: {  	p2 =	seq.s32 s10, $0x1;
	s10 =	sld [smem:$0x3FB8]  }
0x3d: {  	_ =	shalt  }
0x3e: {  	_ =	shalt  }
0x3f: {  	_ =	shalt  }
0x40: {  	_ =	shalt  }
0x41: {  	_ =	shalt  }
0x42: {  	_ =	shalt  }
0x43: {  	_ =	shalt  }
0x44: {  	_ =	shalt  }
0x45: {  	_ =	shalt  }
0x46: {  	_ =	shalt  }
0x47: {  	_ =	shalt  }
0x48: {  	_ =	shalt  }
0x49: {  	_ =	shalt  }
0x4a: {  	_ =	shalt  }
0x4b: {  	_ =	shalt  }
0x4c: {  	_ =	shalt  }
0x4d: {  	_ =	shalt  }
0x4e: {  	_ =	shalt  }
0x4f: {  	_ =	shalt  }
0x50: {  	_ =	shalt  }
0x51: {  	_ =	shalt  }
0x52: {  	_ =	shalt  }
0x53: {  	_ =	shalt  }
0x54: {  	_ =	shalt  }
0x55: {  	_ =	shalt  }
0x56: {  	_ =	shalt  }
0x57: {  	_ =	shalt  }
0x58: {  	_ =	shalt  }
0x59: {  	_ =	shalt  }
0x5a: {  	_ =	shalt  }
0x5b: {  	_ =	shalt  }
0x5c: {  	_ =	shalt  }
0x5d: {  	_ =	shalt  }
0x5e: {  	_ =	shalt  }
0x5f: {  	_ =	shalt  }
0x60: {  	_ =	shalt  }
0x61: {  	_ =	shalt  }
0x62: {  	_ =	shalt  }
0x63: {  	_ =	shalt  }
0x64: {  	_ =	shalt  }
0x65: {  	_ =	shalt  }
0x66: {  	_ =	shalt  }
0x67: {  	_ =	shalt  }
0x68: {  	_ =	shalt  }
0x69: {  	_ =	shalt  }
0x6a: {  	_ =	shalt  }
0x6b: {  	_ =	shalt  }
0x6c: {  	_ =	shalt  }
0x6d: {  	_ =	shalt  }
0x6e: {  	_ =	shalt  }
0x6f: {  	_ =	shalt  }
0x70: {  	_ =	shalt  }
0x71: {  	_ =	shalt  }
0x72: {  	_ =	shalt  }
0x73: {  	_ =	shalt  }
0x74: {  	_ =	shalt  }
0x75: {  	_ =	shalt  }
0x76: {  	_ =	shalt  }
0x77: {  	_ =	shalt  }
0x78: {  	_ =	shalt  }
0x79: {  	_ =	shalt  }
0x7a: {  	_ =	shalt  }
0x7b: {  	_ =	shalt  }
0x7c: {  	_ =	shalt  }
0x7d: {  	_ =	shalt  }
0x7e: {  	_ =	shalt  }
0x7f: {  	_ =	shalt  }
0x80: {  	_ =	shalt  }
0x81: {  	_ =	shalt  }
0x82: {  	_ =	shalt  }
0x83: {  	_ =	shalt  }
0x84: {  	_ =	shalt  }
0x85: {  	_ =	shalt  }
0x86: {  	_ =	shalt  }
0x87: {  	_ =	shalt  }
.Lfunc_end0:
.L_simem_size_0:
called_computation_lowered:
.L_overlay_start_0:
0x88: {  	s2 =	sld [smem:$0x3FD9]  }
0x89: {  	s3 =	sld [smem:$0x3FFE];
	_ =	sdelay $0x1  }
0x8a: {  	s1 =	srdreg.scid  }
0x8b: {  	s0 =	sand.u32 $0x1, s1  }
0x8c: {  	s16 =	sshll.u32 s0, $0xA;
	s2 =	sadd.s32 s3, s2  }
0x8d: {  	s2 =	sadd.s32 s2, s16  }
0x8e: {  	[smem:$0x3FC4] =	sst s2  }
0x8f: {  	_ = 	snop  }
0x90: {  	(tm) =	ssettm $0x1  }
0x91: {  	s17 =	sld [smem:$0x3FFB];
	_ =	sdelay $0x3  }
0x92: {  	_ =	strace s17  }
0x93: {  	s2 =	sld [smem:$0x3FFC];
	_ =	sdelay $0x3  }
0x94: {  	_ =	strace s2  }
0x95: {  	s2 =	sld [smem:$0x3FFD];
	_ =	sdelay $0x3  }
0x96: {  	_ =	strace s2  }
0x97: {  	_ =	strace $0x8FFFFFFF  }
0x98: {  	s18 =	sld [smem:$0x3FDB];
	_ =	sdelay $0x1  }
0x99: {  	s19 =	simm.s32 $_scs_section_size  }
0x9a: {  	s4 =	simm.s32 $_size__tile_overlayer_lowered;
	s5 =	simm.s32 $_tile_overlayer_lowered  }
0x9b: {  	s22 =	simm.s32 $0x1BFF;
	s21 =	sshll.u32 s5, $0x1;
	s2 =	sadd.s32 s19, s18  }
0x9c: {  	s6 =	simm.s32 $0x0;
	s20 =	sshll.u32 s4, $0x1;
	s4 =	sadd.s32 s21, s2  }
0x9d: {  	[timem:s6], [sflag:s22] =	dma.local [hbm:s4], s20  }
0x9e: {  	_ =	swait.ge [sflag:s22], s20  }
0x9f: {  	s3 =	ssub.s32 $0x0, s20;
	[sflag:s22] =	ssyncset.done $0x0  }
0xa0: {  	[sflag:s22] =	ssyncadd.s32 s3;
	_ =	sdelay $0x1  }
0xa1: {  	s23 =	simm.s32 $0x1B8B  }
0xa2: {  	_ =	swait.ge [sflag:s23], $0x1  }
0xa3: {  	[sflag:s23] =	ssyncset.done $0x0  }
0xa4: {  	s25 =	simm.s32 $0x1B8E;
	s24 =	sld [smem:$0x3FFE];
	[sflag:s23] =	ssyncadd.s32 $0xFFFFFFFF  }
0xa5: {  	s26 =	simm.s32 $execute0_lowered;
	[smem:$0x3FD2] =	sst s25  }
0xa6: {  	s4 =	sshll.u32 s26, $0x1;
	_ =	strace $0x80000046;
	[dreg:$0x1] =	wrdreg $0xFFFFFFFF  }
0xa7: {  	s28 =	simm.s32 $_size_execute0_lowered;
	s2 =	sadd.s32 s2, s4;
	[dreg:$0x0] =	wrdreg $0x0  }
0xa8: {  	s4 =	sshll.u32 s28, $0x1;
	[dreg:$0x2] =	wrdreg s2  }
0xa9: {  	[dreg:$0x3] =	wrdreg s4  }
0xaa: {  	[dreg:$0x4] =	wrdreg $0xC0  }
0xab: {  	_ =	task [dreg:s6], $0x5FFFF  }
0xac: {  	[dreg:$0x1] =	wrdreg $0xFFFFFFFF  }
0xad: {  	[dreg:$0x0] =	wrdreg $0x60  }
0xae: {  	[dreg:$0x2] =	wrdreg s24  }
0xaf: {  	[dreg:$0x3] =	wrdreg $0x9  }
0xb0: {  	_ =	task.clear_ibuf [dreg:s6], $0x4FFFF;
	_ =	strace $0x90000046  }
0xb1: {  	s29 =	simm.s32 $0x9;
	_ =	strace $0x80000048  }
0xb2: {  	_ =	swait.ge [sflag:s29], $0x1  }
0xb3: {  	[sflag:s29] =	ssyncadd.s32 $0xFFFFFFFF  }
0xb4: {  	_ =	strace $0x90000048  }
0xb5: {  	_ =	sfence  }
0xb6: {  	s30 =	sld [smem:$0x0];
	_ =	sdelay $0x2  }
0xb7: {  	s31 =	sshll.u32 s1, $0xD;
	s1 =	sshrl.u32 s1, $0x2  }
0xb8: {  	s3 =	sand.u32 $0x4000, s31;
	s1 =	sadd.s32 s1, s30  }
0xb9: {  	s0 =	sor.u32 s3, s0;
	s1 =	sshll.u32 s1, $0x11  }
0xba: {  	s0 =	sor.u32 s1, s0  }
0xbb: {  	s0 =	sadd.s32 $0x8F2B, s0  }
0xbc: {  	[sflag:s0] =	ssyncadd.remote.s32 $0x1  }
0xbd: {  	_ =	sfence.sel $0xFFFF  }
0xbe: {  	[dreg:$0x0] =	wrdreg $0xFFFFFFFF;
	(pc) =	sbr.abs _section_cstart, $3  }
0xbf: {  	[dreg:$0x1] =	wrdreg $0xFFFFFFFF  }
0xc0: {  	_ =	task.clear_ibuf [dreg:s6], $0x2FFFF;
	_ =	strace $0x9FFFFFFF  }
0xc1: {  	(tm) =	ssettm $0x7FFFFFFF  }
tec
execute0_lowered:
.L_overlay_start_1:
0x0: {  	(tag) =	ssettag $0x1  }
0x1: {  	s0 =	rddreg [dreg:$0x0]  }
0x2: {  	s1 =	srdreg.scid;
	s3 =	stileid.u32  }
0x3: {  	s7 =	simm.s32 $0x0;
	s1 =	sand.u32 $0x1, s1;
	s2 =	sshrl.u32 s3, $0x2  }
0x4: {  	s3 =	sshll.u32 s3, $0x8;
	[smem:$0x7FF] =	sst s7;
	s4 =	sshll.u32 s1, $0x7  }
0x5: {  	s3 =	sand.u32 $0x300, s3;
	s5 =	smul.u32 $0x30000, s2;
	s1 =	ssub.s32 $0x2, s1  }
0x6: {  	s2 =	sshll.u32 s2, $0xA;
	s3 =	sor.u32 s4, s3;
	s28 =	sshrl.u32 s1, $0x1  }
0x7: {  	s4 =	sor.u32 s5, s3;
	s2 =	sor.u32 s2, s3;
	s1 =	ssub.s32 s1, s28  }
0x8: {  	s26 =	sshrl.u32 s4, $0x3;
	s2 =	sshrl.u32 s2, $0x3;
	s31 =	smax.u32 s1, $0x1  }
.Ltmp0:
0x9: {  	s3 =	sadd.s32 s26, s0;
	s0 =	sadd.s32 s2, s0;
	(pc) =	sbr.rel .LBB2_1-.Ltmp0, $4  }
0xa: {  	_ =	strace $0x80000047;
	[dreg:$0x5] =	wrdreg s31;
	s29 =	sadd.s32 $0x19200, s0  }
0xb: {  	vm0 =	vmmov $0x1;
	vm1 =	vcmask $0x70C;
	vm2 =	vcmask $0xB10;
	s30 =	sadd.s32 $0x1200, s3;
	[dreg:$0x2] =	wrdreg s29  }
0xc: {  	s8 =	simm.s32 $0x1;
	v0 =	vimm.f32 $1.000000000e+00;
	vm3 =	vcmask $0x300;
	v1 =	vimm.s32 $0x0;
	s0 =	sadd.s32 $0x19400, s0;
	[dreg:$0x3] =	wrdreg s30  }
0xd: {  	v2 =	vimm.s32 $0x1;
	s12 =	simm.s32 $0x6080;
	vm4 =	vmxor vm4, vm4;
	v3 =	vlaneseq.u32;
	s13 =	simm.s32 $0x0;
	[dreg:$0x4] =	wrdreg s0  }
.LBB2_6:
0xe: {  	s17 =	simm.f32 @!p0 $0.0e+00  }
.LBB2_26:
0xf: {  	s0 =	sadd.f32 s17, s2;
	_ =	sdelay $0x1  }
0x10: {  	v4 =	vmov s0  }
0x11: {  	v4 =	vnsel vm3, $0x0, v4  }
0x12: {  	s30 =	rddreg [dreg:$0x4];
	s1 =	simm.s32 $0x6180;
	[tilespmem:$0x6180] =	vst v4  }
0x13: {  	[hbm4b:s30+s7] =	stream.linear.scatter [tilespmem:s1], [sflag:$0x1], $0x80, $0x38;
	[tilespmem:$0x6200] =	vst v63  }
0x14: {  	_ =	swait.ge [sflag:s8], $0x80  }
0x15: {  	s13 =	sadd.s32 $0x1, s13;
	s31 =	rddreg [dreg:$0x5]  }
0x16: {  	p0 =	sne.s32 s13, s31  }
.Ltmp1:
0x17: {  	_ = 	snop;
	(pc) =	sbr.rel @!p0 .LBB2_27-.Ltmp1, $3  }
0x18: {  	_ =	sdelay $0x1  }
0x19: {  	[sflag:s8] =	ssyncset.done $0x0  }
0x1a: {  	[sflag:s8] =	ssyncadd.s32 $0xFFFFFF80  }
.LBB2_1:
0x1b: {  	s0 =	rddreg [dreg:$0x2];
	s1 =	simm.s32 $0x6000  }
0x1c: {  	[tilespmem:s1], [sflag:$0x1] =	stream.linear.gather [hbm4b:s0+s7], $0x80, $0x38;
	[tilespmem:$0x6200] =	vst v63  }
0x1d: {  	_ =	swait.ge [sflag:s8], $0x80  }
0x1e: {  	[sflag:s8] =	ssyncset.done $0x0  }
0x1f: {  	[sflag:s8] =	ssyncadd.s32 $0xFFFFFF80  }
0x20: {  	v4 =	vld [tilespmem:$0x6000];
	_ =	sdelay $0x4  }
0x21: {  	v5 =	vnsel vm0, $0x0, v4  }
0x22: {  	(xrf2) =	vadd.scan.msk.f32 $0xffff, v5;
	_ =	sdelay $0x6  }
0x23: {  	v5 =	vsel vm1, $0x0, v4;
	_ =	sdelay $0x2  }
0x24: {  	(xrf2) =	vadd.scan.msk.f32 $0xffff, v5;
	v5, _, _ =	vpop (xrf2)  }
0x25: {  	(v2sf) =	vpush v5, $0xF;
	_ =	sdelay $0x2  }
0x26: {  	v4 =	vsel vm2, $0x0, v4  }
0x27: {  	(xrf2) =	vadd.scan.msk.f32 $0xffff, v4;
	_ =	sdelay $0x8  }
0x28: {  	v4, _, _ =	vpop (xrf2)  }
0x29: {  	(v2sf) =	vpush v4, $0xF;
	v4, _, _ =	vpop (xrf2)  }
0x2a: {  	(v2sf) =	vpush v4, $0xF;
	s30 =	spop (v2sf)  }
0x2b: {  	s31 =	scvt.f32.s32 s30;
	_ =	sdelay $0x1  }
0x2c: {  	s16 =	smul.u32 $0x3, s31;
	_ =	sdelay $0x1  }
0x2d: {  	p0 =	slt.s32 s16, $0x5FF4;
	s0 =	smov.u32 s16  }
0x2e: {  	s18 =	ssub.s32 $0x5FF4, s31;
	s0 =	simm.s32 @!p0 $0x5FF4  }
0x2f: {  	s0 =	ssub.s32 s0, s18  }
0x30: {  	p0 =	sgt.s32 s0, $0x0  }
0x31: {  	s0 =	simm.s32 @!p0 $0x0  }
0x32: {  	p0 =	sge.s32 s0, s31  }
.Ltmp2:
0x33: {  	_ = 	snop;
	(pc) =	sbr.rel @p0 .LBB2_5-.Ltmp2, $3  }
0x34: {  	_ =	sdelay $0x1  }
0x35: {  	s2 =	spop (v2sf)  }
0x36: {  	s17 =	spop (v2sf)  }
0x37: {  	s1 =	simm.s32 $0x0  }
0x38: {  	s2 =	rddreg [dreg:$0x3];
	s3 =	simm.s32 $0x80;
	s4 =	simm.s32 $0x400  }
0x39: {  	[tilespmem:s1], [sflag:$0x1] =	stream.strided.gather [hbm4b:s2+s3], $0x6000, s4, s3, $0x38;
	[tilespmem:$0x6200] =	vst v63  }
0x3a: {  	_ =	swait.ge [sflag:s8], $0x6000  }
0x3b: {  	[sflag:s8] =	ssyncset.done $0x0  }
0x3c: {  	s11 =	simm.s32 $0x0;
	[sflag:s8] =	ssyncadd.s32 $0xFFFFA000  }
0x3d: {  	v6 =	vld [tilespmem:s11+$0x0];
	_ =	sdelay $0x4  }
0x3e: {  	vm5 =	vgt.s32 v6, $0xFFFFFFFF  }
0x3f: {  	v8 =	vsel vm5, $0x0, v0  }
0x40: {  	(xrf2) =	vadd.scan.msk.f32 $0xffff, v8  }
0x41: {  	s14 =	simm.s32 $0x10  }
0x42: {  	v11 =	vld [tilespmem:s14+$0x0]  }
0x43: {  	s15 =	simm.s32 $0x20  }
0x44: {  	v13 =	vld [tilespmem:s15+$0x0];
	_ =	sdelay $0x2  }
0x45: {  	vm5 =	vgt.s32 v11, $0xFFFFFFFF  }
0x46: {  	v12 =	vsel vm5, $0x0, v0  }
0x47: {  	vm5 =	vgt.s32 v13, $0xFFFFFFFF;
	(xrf2) =	vadd.scan.msk.f32 $0xffff, v12  }
0x48: {  	v16 =	vsel vm5, $0x0, v0;
	v4, _, _ =	vpop (xrf2)  }
0x49: {  	s19 =	simm.s32 $0x30;
	(xrf2) =	vadd.scan.msk.f32 $0xffff, v16;
	(v2sf) =	vpush v4, $0xF  }
0x4a: {  	v14 =	vld [tilespmem:s19+$0x0];
	_ =	sdelay $0x4  }
0x4b: {  	vm5 =	vgt.s32 v14, $0xFFFFFFFF  }
0x4c: {  	v18 =	vsel vm5, $0x0, v0  }
0x4d: {  	s20 =	simm.s32 $0x40;
	(xrf2) =	vadd.scan.msk.f32 $0xffff, v18;
	v10, _, _ =	vpop (xrf2)  }
0x4e: {  	s21 =	simm.s32 $0x50;
	v19 =	vld [tilespmem:s20+$0x0];
	(v2sf) =	vpush v10, $0xF  }
0x4f: {  	v7 =	vld [tilespmem:s21+$0x0];
	v15, _, _ =	vpop (xrf2)  }
0x50: {  	(v2sf) =	vpush v15, $0xF  }
0x51: {  	s0 =	scvt.s32.f32 s0;
	s14 =	simm.f32 $0.0e+00  }
0x52: {  	s22 =	simm.s32 $0x60;
	v9 =	vadd.f32 s14, v4  }
0x53: {  	v5 =	vld [tilespmem:s22+$0x0];
	vm6 =	vgt.f32 v8, $0.0e+00;
	vm5 =	vgt.s32 v19, $0xFFFFFFFF;
	v4 =	vmov s0  }
0x54: {  	v20 =	vsel vm5, $0x0, v0;
	vm5 =	vgt.s32 v7, $0xFFFFFFFF;
	vm7 =	vle.f32 v9, v4;
	s23 =	spop (v2sf)  }
0x55: {  	v6 =	vand.u32 $0x7FFFFFFF, v6;
	(xrf2) =	vadd.scan.msk.f32 $0xffff, v20;
	v9 =	vsel vm5, $0x0, v0;
	vm5 =	vmand vm6, vm7;
	s0 =	sadd.f32 s23, s14  }
0x56: {  	(xrf2) =	vadd.scan.msk.f32 $0xffff, v9;
	v6 =	vnsel vm5, $0x0, v6  }
0x57: {  	v17, _, _ =	vpop (xrf2);
	(xrf2) =	vadd.scan.msk.f32 $0xffff, v6;
	v8 =	vadd.f32 s0, v10  }
0x58: {  	(v2sf) =	vpush v17, $0xF;
	vm5 =	vgt.s32 v5, $0xFFFFFFFF  }
0x59: {  	v10 =	vsel vm5, $0x0, v0;
	vm5 =	vgt.f32 v12, $0.0e+00;
	vm6 =	vle.f32 v8, v4  }
0x5a: {  	s24 =	simm.s32 $0x70;
	v8 =	vand.u32 $0x7FFFFFFF, v11;
	vm5 =	vmand vm5, vm6  }
0x5b: {  	v6 =	vld [tilespmem:s24+$0x0];
	(xrf2) =	vadd.scan.msk.f32 $0xffff, v10;
	v8 =	vnsel vm5, $0x0, v8  }
0x5c: {  	(xrf2) =	vadd.scan.msk.f32 $0xffff, v8  }
0x5d: {  	s25 =	spop (v2sf)  }
0x5e: {  	s0 =	sadd.f32 s25, s0  }
0x5f: {  	s26 =	simm.s32 $0x80;
	v21, _, _ =	vpop (xrf2);
	s28 =	spop (v2sf)  }
0x60: {  	v12 =	vadd.f32 s0, v15;
	v15, _, _ =	vpop (xrf2);
	s0 =	sadd.f32 s28, s0;
	vm5 =	vgt.s32 v6, $0xFFFFFFFF;
	v8 =	vld [tilespmem:s26+$0x0]  }
0x61: {  	(v2sf) =	vpush v21, $0xF;
	v11 =	vsel vm5, $0x0, v0;
	vm5 =	vgt.f32 v16, $0.0e+00;
	v16, _, _ =	vpop (xrf2)  }
0x62: {  	(v2sf) =	vpush v16, $0xF;
	v16 =	vadd.f32 s0, v17  }
0x63: {  	vm6 =	vle.f32 v12, v4  }
0x64: {  	v13 =	vand.u32 $0x7FFFFFFF, v13;
	vm5 =	vmand vm5, vm6  }
0x65: {  	s29 =	simm.s32 $0x90;
	v22 =	vnsel vm5, $0x0, v13;
	vm5 =	vgt.s32 v8, $0xFFFFFFFF;
	v17, _, _ =	vpop (xrf2)  }
0x66: {  	v12 =	vld [tilespmem:s29+$0x0];
	(xrf2) =	vadd.scan.msk.f32 $0xffff, v11;
	(v2sf) =	vpush v15, $0xF;
	v13 =	vsel vm5, $0x0, v0;
	vm5 =	vle.f32 v16, v4;
	v16, _, _ =	vpop (xrf2)  }
0x67: {  	(xrf2) =	vadd.scan.msk.f32 $0xffff, v22;
	(v2sf) =	vpush v16, $0xF  }
0x68: {  	s30 =	spop (v2sf);
	(v2sf) =	vpush v17, $0xF  }
0x69: {  	vm6 =	vgt.f32 v18, $0.0e+00  }
0x6a: {  	v14 =	vand.u32 $0x7FFFFFFF, v14;
	s0 =	sadd.f32 s30, s0;
	vm5 =	vmand vm6, vm5  }
0x6b: {  	(xrf2) =	vadd.scan.msk.f32 $0xffff, v13;
	v14 =	vnsel vm5, $0x0, v14;
	vm5 =	vgt.s32 v12, $0xFFFFFFFF  }
0x6c: {  	v18 =	vadd.f32 s0, v21;
	(xrf2) =	vadd.scan.msk.f32 $0xffff, v14;
	v16 =	vsel vm5, $0x0, v0  }
0x6d: {  	(xrf2) =	vadd.scan.msk.f32 $0xffff, v16;
	_ =	sdelay $0x1  }
0x6e: {  	s31 =	simm.s32 $0xA0;
	vm6 =	vle.f32 v18, v4;
	vm5 =	vgt.f32 v20, $0.0e+00  }
0x6f: {  	s1 =	simm.s32 $0x2C0;
	v19 =	vand.u32 $0x7FFFFFFF, v19;
	s2 =	spop (v2sf);
	v14 =	vld [tilespmem:s31+$0x0];
	v18, _, _ =	vpop (xrf2);
	vm5 =	vmand vm5, vm6  }
.LBB2_3:
0x70: {  	p0 =	sne.s32 s1, $0x17FC0;
	v19 =	vnsel vm5, $0x0, v19;
	v20, _, _ =	vpop (xrf2);
	v21 =	vmov v6  }
0x71: {  	s0 =	sadd.f32 s2, s0;
	v6 =	vmovc v8;
	v8 =	vmovc v12;
	v22 =	vmov v11;
	v11 =	vmov v13;
	v13 =	vmov v16;
	s2 =	smov.u32 s1;
	s1 =	sadd.s32 $0x40, s1  }
.Ltmp3:
0x72: {  	(v2sf) =	vpush v20, $0xF;
	(pc) =	sbr.rel @p0 .LBB2_3-.Ltmp3, $4  }
0x73: {  	(v2sf) =	vpush v18, $0xF;
	v20 =	vadd.f32 s0, v15;
	(xrf2) =	vadd.scan.msk.f32 $0xffff, v19;
	v15 =	vmovc v17;
	v17 =	vmov v18  }
0x74: {  	s2 =	sshra.s32 s2, $0x2;
	vm5 =	vgt.s32 v14, $0xFFFFFFFF;
	v18, _, _ =	vpop (xrf2);
	v12 =	vmov v14  }
0x75: {  	v14 =	vld [tilespmem:s2+$0x0];
	v16 =	vsel vm5, $0x0, v0;
	vm5 =	vgt.f32 v9, $0.0e+00;
	vm6 =	vle.f32 v20, v4;
	s3 =	spop (v2sf);
	v9 =	vmovc v10;
	v10 =	vmovc v22  }
0x76: {  	v19 =	vand.u32 $0x7FFFFFFF, v7;
	v7 =	vmovc v5;
	v5 =	vmov v21;
	(xrf2) =	vadd.scan.msk.f32 $0xffff, v16;
	vm5 =	vmand vm5, vm6;
	s2 =	spop (v2sf);
	s14 =	sadd.f32 s3, s14  }
0x77: {  	v19 =	vnsel vm5, $0x0, v19  }
0x78: {  	(xrf2) =	vadd.scan.msk.f32 $0xffff, v19;
	_ =	sdelay $0x4  }
0x79: {  	v54, _, _ =	vpop (xrf2)  }
0x7a: {  	(v2sf) =	vpush v54, $0xF  }
0x7b: {  	v55, _, _ =	vpop (xrf2);
	(v2sf) =	vpush v18, $0xF  }
0x7c: {  	v20, _, _ =	vpop (xrf2)  }
0x7d: {  	(v2sf) =	vpush v20, $0xF;
	v56, _, _ =	vpop (xrf2)  }
0x7e: {  	(v2sf) =	vpush v55, $0xF;
	v21, _, _ =	vpop (xrf2)  }
0x7f: {  	(v2sf) =	vpush v21, $0xF  }
0x80: {  	(v2sf) =	vpush v56, $0xF;
	_ =	sdelay $0x3  }
0x81: {  	s1 =	spop (v2sf);
	s2 =	sadd.f32 s2, s0  }
0x82: {  	s3 =	spop (v2sf);
	vm5 =	vgt.s32 v14, $0xFFFFFFFF  }
0x83: {  	v15 =	vadd.f32 s2, v15;
	s2 =	sadd.f32 s3, s2;
	v57 =	vsel vm5, $0x0, v0  }
0x84: {  	s19 =	spop (v2sf);
	(xrf2) =	vadd.scan.msk.f32 $0xffff, v57  }
0x85: {  	vm5 =	vgt.f32 v9, $0.0e+00;
	vm6 =	vle.f32 v15, v4;
	v58 =	vadd.f32 s2, v17;
	s20 =	spop (v2sf)  }
0x86: {  	v7 =	vand.u32 $0x7FFFFFFF, v7;
	vm5 =	vmand vm5, vm6;
	s2 =	sadd.f32 s20, s2;
	s21 =	spop (v2sf)  }
0x87: {  	v7 =	vnsel vm5, $0x0, v7;
	vm5 =	vgt.f32 v10, $0.0e+00;
	vm6 =	vle.f32 v58, v4;
	s4 =	spop (v2sf)  }
0x88: {  	v5 =	vand.u32 $0x7FFFFFFF, v5;
	vm5 =	vmand vm5, vm6;
	v59 =	vadd.f32 s2, v18;
	s4 =	sadd.f32 s4, s2  }
0x89: {  	v5 =	vnsel vm5, $0x0, v5;
	s5 =	spop (v2sf)  }
0x8a: {  	vm5 =	vgt.f32 v11, $0.0e+00;
	(xrf2) =	vadd.scan.msk.f32 $0xffff, v7;
	vm6 =	vle.f32 v59, v4;
	v60 =	vadd.f32 s4, v55;
	s22 =	spop (v2sf)  }
0x8b: {  	(xrf2) =	vadd.scan.msk.f32 $0xffff, v5;
	v5 =	vand.u32 $0x7FFFFFFF, v6;
	vm5 =	vmand vm5, vm6;
	s2 =	sadd.f32 s22, s4;
	s6 =	spop (v2sf)  }
0x8c: {  	v5 =	vnsel vm5, $0x0, v5;
	vm5 =	vgt.f32 v13, $0.0e+00;
	vm6 =	vle.f32 v60, v4;
	s23 =	spop (v2sf)  }
0x8d: {  	(xrf2) =	vadd.scan.msk.f32 $0xffff, v5;
	v5 =	vand.u32 $0x7FFFFFFF, v8;
	vm5 =	vmand vm5, vm6;
	v61 =	vadd.f32 s2, v56;
	s2 =	sadd.f32 s23, s2  }
0x8e: {  	v62, _, _ =	vpop (xrf2);
	v5 =	vnsel vm5, $0x0, v5  }
0x8f: {  	vm5 =	vgt.f32 v16, $0.0e+00;
	vm6 =	vle.f32 v61, v4;
	v63 =	vadd.f32 s2, v62  }
0x90: {  	(xrf2) =	vadd.scan.msk.f32 $0xffff, v5;
	v5 =	vand.u32 $0x7FFFFFFF, v12;
	vm5 =	vmand vm5, vm6  }
0x91: {  	v5 =	vnsel vm5, $0x0, v5;
	vm5 =	vgt.f32 v57, $0.0e+00;
	vm6 =	vle.f32 v63, v4  }
0x92: {  	(xrf2) =	vadd.scan.msk.f32 $0xffff, v5;
	v4 =	vand.u32 $0x7FFFFFFF, v14;
	vm5 =	vmand vm5, vm6  }
0x93: {  	v4 =	vnsel vm5, $0x0, v4  }
0x94: {  	v5, _, _ =	vpop (xrf2);
	(xrf2) =	vadd.scan.msk.f32 $0xffff, v4  }
0x95: {  	(v2sf) =	vpush v5, $0xF  }
0x96: {  	(v2sf) =	vpush v62, $0xF;
	v4, _, _ =	vpop (xrf2)  }
0x97: {  	(v2sf) =	vpush v4, $0xF  }
0x98: {  	v4, _, _ =	vpop (xrf2)  }
0x99: {  	(v2sf) =	vpush v4, $0xF  }
0x9a: {  	v4, _, _ =	vpop (xrf2)  }
0x9b: {  	s1 =	sadd.f32 s1, s14;
	(v2sf) =	vpush v4, $0xF  }
0x9c: {  	v4, _, _ =	vpop (xrf2)  }
0x9d: {  	s0 =	sadd.f32 s19, s1;
	(v2sf) =	vpush v4, $0xF  }
0x9e: {  	v4, _, _ =	vpop (xrf2)  }
0x9f: {  	s0 =	sadd.f32 s21, s0;
	(v2sf) =	vpush v4, $0xF;
	_ =	sdelay $0x1  }
0xa0: {  	s0 =	sadd.f32 s5, s0;
	_ =	sdelay $0x1  }
0xa1: {  	s0 =	sadd.f32 s6, s0  }
0xa2: {  	s24 =	spop (v2sf)  }
0xa3: {  	s25 =	spop (v2sf);
	s0 =	sadd.f32 s24, s0  }
0xa4: {  	s26 =	spop (v2sf)  }
0xa5: {  	s0 =	sadd.f32 s26, s0  }
0xa6: {  	s28 =	spop (v2sf)  }
0xa7: {  	s0 =	sadd.f32 s28, s0  }
0xa8: {  	s29 =	spop (v2sf)  }
0xa9: {  	s0 =	sadd.f32 s29, s0  }
0xaa: {  	s30 =	spop (v2sf)  }
0xab: {  	s0 =	sadd.f32 s30, s0  }
0xac: {  	s31 =	spop (v2sf)  }
0xad: {  	s2 =	sadd.f32 s31, s0  }
.LBB2_5:
0xae: {  	p0 =	slt.s32 s16, s18;
	s15 =	smov.u32 s18  }
0xaf: {  	s15 =	smov.u32 @p0 s16;
	p0 =	sge.s32 s16, s18  }
0xb0: {  	p1 =	slt.s32 @!p0 s15, $0x1  }
0xb1: {  	p1 =	por p0, p1  }
.Ltmp4:
0xb2: {  	_ = 	snop;
	(pc) =	sbr.rel @p1 .LBB2_6-.Ltmp4, $1  }
0xb3: {  	_ =	sdelay $0x3  }
0xb4: {  	[dreg:$0x6] =	wrdreg s2;
	s0 =	simm.s32 $0x0  }
0xb5: {  	s1 =	rddreg [dreg:$0x3];
	s31 =	simm.s32 $0x80;
	s3 =	simm.s32 $0x400  }
0xb6: {  	[tilespmem:s0], [sflag:$0x1] =	stream.strided.gather [hbm4b:s1+s31], $0x6000, s3, s31, $0x38;
	[tilespmem:$0x6200] =	vst v63  }
0xb7: {  	_ =	swait.ge [sflag:s8], $0x6000  }
0xb8: {  	[sflag:s8] =	ssyncset.done $0x0  }
0xb9: {  	[sflag:s8] =	ssyncadd.s32 $0xFFFFA000  }
0xba: {  	[tilespmem:$0x6080] =	vst v1  }
0xbb: {  	[tilespmem:$0x6090] =	vst v1  }
0xbc: {  	[tilespmem:$0x60A0] =	vst v1  }
0xbd: {  	[tilespmem:$0x60B0] =	vst v1  }
0xbe: {  	[tilespmem:$0x60C0] =	vst v1  }
0xbf: {  	[tilespmem:$0x60D0] =	vst v1  }
0xc0: {  	[tilespmem:$0x60E0] =	vst v1  }
0xc1: {  	[tilespmem:$0x60F0] =	vst v1  }
0xc2: {  	[tilespmem:$0x6100] =	vst v1  }
0xc3: {  	[tilespmem:$0x6110] =	vst v1  }
0xc4: {  	[tilespmem:$0x6120] =	vst v1  }
0xc5: {  	[tilespmem:$0x6130] =	vst v1  }
0xc6: {  	[tilespmem:$0x6140] =	vst v1  }
0xc7: {  	[tilespmem:$0x6150] =	vst v1  }
0xc8: {  	[tilespmem:$0x6160] =	vst v1  }
0xc9: {  	s1 =	simm.s32 $0x0;
	s0 =	simm.s32 $0x40;
	[tilespmem:$0x6170] =	vst v1  }
.LBB2_8:
0xca: {  	p0 =	seq.s32 s0, $0x17FC0;
	v4 =	vld [tilespmem:s1+$0x0];
	_ =	sdelay $0x4  }
0xcb: {  	vm5 =	vgt.s32 v4, $0xFFFFFFFF  }
0xcc: {  	v4 =	vshrl.u32 v4, $0x18  }
.Ltmp5:
0xcd: {  	(pc) =	sbr.rel @!p0 .LBB2_8-.Ltmp5, $2  }
0xce: {  	_ =	sdelay $0x2  }
0xcf: {  	s1 =	sshra.s32 s0, $0x2;
	s0 =	sadd.s32 $0x40, s0;
	[tilespmem:v4+s12+$0x0] =	vst.idx.add.s32.msk vm5, v2  }
0xd0: {  	v4 =	vld [tilespmem:s1+$0x0];
	_ =	sdelay $0x4  }
0xd1: {  	vm5 =	vgt.s32 v4, $0xFFFFFFFF  }
0xd2: {  	v4 =	vshrl.u32 v4, $0x18;
	_ =	sdelay $0x4  }
0xd3: {  	s0 =	simm.s32 $0x6170;
	[tilespmem:v4+s12+$0x0] =	vst.idx.add.s32.msk vm5, v2  }
0xd4: {  	v5 =	vld [tilespmem:s0+$0x0];
	_ =	sdelay $0x3  }
0xd5: {  	s23 =	simm.s32 $0x6160  }
0xd6: {  	v7 =	vld [tilespmem:s23+$0x0];
	(xrf0) =	vadd.scan.msk.s32 $0xffff, v5;
	_ =	sdelay $0x4  }
0xd7: {  	s24 =	simm.s32 $0x6150;
	(xrf0) =	vadd.scan.msk.s32 $0xffff, v7  }
0xd8: {  	v10 =	vld [tilespmem:s24+$0x0];
	v8, _, _ =	vpop (xrf0)  }
0xd9: {  	(v2sf) =	vpush v8, $0xF;
	_ =	sdelay $0x3  }
0xda: {  	(xrf0) =	vadd.scan.msk.s32 $0xffff, v10;
	v11, _, _ =	vpop (xrf0)  }
0xdb: {  	(v2sf) =	vpush v11, $0xF;
	_ =	sdelay $0x4  }
0xdc: {  	s25 =	simm.s32 $0x6140;
	v12, _, _ =	vpop (xrf0)  }
0xdd: {  	v6 =	vld [tilespmem:s25+$0x0];
	(v2sf) =	vpush v12, $0xF;
	_ =	sdelay $0x3  }
0xde: {  	s26 =	spop (v2sf)  }
0xdf: {  	p0 =	por $0x0, $0x0;
	(xrf0) =	vadd.scan.msk.s32 $0xffff, v6;
	s1 =	sadd.s32 $0x0, s26  }
0xe0: {  	p1 =	por !p0, !p0;
	p2 =	sge.s32 s1, s15  }
0xe1: {  	p1 =	por !p2, !p1  }
0xe2: {  	s16 =	simm.s32 $0x0;
	v8 =	vsub.s32 s1, v8;
	p1 =	por !p1, !p1  }
0xe3: {  	vm7 =	vmmov vm4;
	v4 =	vmov s15;
	s29 =	spop (v2sf);
	v5 =	vadd.s32 v5, v8;
	s1 =	smov.u32 @p1 s16  }
0xe4: {  	s2 =	simm.s32 $0x6130;
	vm8 =	vmmov vm4;
	vm5 =	vlt.s32 v8, v4;
	p0 =	por p0, p2;
	vm6 =	vge.s32 v5, v4;
	s0 =	sadd.s32 s1, s29  }
0xe5: {  	v9, _, _ =	vpop (xrf0);
	v5 =	vld [tilespmem:s2+$0x0];
	p2 =	por !p0, !p0;
	vm5 =	vmand vm5, vm6;
	vm7 =	vmneg @p1 vm7;
	v11 =	vsub.s32 s0, v11;
	p3 =	sge.s32 s0, s15  }
0xe6: {  	(v2sf) =	vpush v9, $0xF;
	vm5 =	vmand vm7, vm5;
	p2 =	por !p3, !p2;
	v7 =	vadd.s32 v7, v11  }
0xe7: {  	vm7 =	vlt.s32 v11, v4;
	vm6 =	vge.s32 v7, v4;
	v7 =	vnsel vm5, $0x0, v3;
	p2 =	por !p2, !p2  }
0xe8: {  	v8 =	vnsel vm5, $0x0, v8;
	(xrf0) =	vadd.scan.msk.s32 $0xffff, v7;
	vm5 =	vmand vm7, vm6;
	vm8 =	vmneg @p2 vm8  }
0xe9: {  	s30 =	spop (v2sf);
	s0 =	smov.u32 @p2 s1;
	(xrf0) =	vadd.scan.msk.s32 $0xffff, v8;
	vm5 =	vmand vm8, vm5  }
0xea: {  	s1 =	sadd.s32 s0, s30;
	(xrf0) =	vadd.scan.msk.s32 $0xffff, v5;
	v7 =	vnsel vm5, $0x0, v3  }
0xeb: {  	v11 =	vnsel vm5, $0x0, v11;
	(xrf0) =	vadd.scan.msk.s32 $0xffff, v7;
	v7 =	vsub.s32 s1, v12  }
0xec: {  	v10 =	vadd.s32 v10, v7;
	_ =	sdelay $0x1  }
0xed: {  	(xrf0) =	vadd.scan.msk.s32 $0xffff, v11;
	v11, _, _ =	vpop (xrf0)  }
0xee: {  	vm6 =	vge.s32 v10, v4;
	v10, _, _ =	vpop (xrf0);
	(v2sf) =	vpush v11, $0xF  }
0xef: {  	(v2sf) =	vpush v10, $0xF  }
0xf0: {  	s31 =	simm.s32 $0x6120;
	p3 =	por p0, p3  }
0xf1: {  	p0 =	por !p3, !p3;
	v8 =	vld [tilespmem:s31+$0x0];
	p4 =	sge.s32 s1, s15;
	v10, _, _ =	vpop (xrf0)  }
0xf2: {  	s19 =	simm.s32 $0xF0;
	s28 =	simm.s32 $0xE0;
	p0 =	por !p4, !p0;
	(v2sf) =	vpush v10, $0xF;
	v11, _, _ =	vpop (xrf0)  }
0xf3: {  	s21 =	simm.s32 $0x90;
	s22 =	simm.s32 $0x80;
	vm7 =	vmmov vm4;
	vm5 =	vlt.s32 v7, v4;
	p0 =	por !p0, !p0;
	(v2sf) =	vpush v11, $0xF;
	v11, _, _ =	vpop (xrf0)  }
0xf4: {  	s20 =	simm.s32 $0x70;
	s18 =	simm.s32 $0x60;
	s17 =	simm.s32 $0x0;
	vm7 =	vmneg @p0 vm7;
	vm5 =	vmand vm5, vm6;
	(v2sf) =	vpush v11, $0xF  }
0xf5: {  	s25 =	simm.s32 $0xC0;
	s24 =	simm.s32 $0xB0;
	s23 =	simm.s32 $0xA0;
	vm5 =	vmand vm7, vm5  }
0xf6: {  	s26 =	simm.s32 $0xD0;
	s3 =	spop (v2sf);
	p1 =	por p1, p1;
	(xrf0) =	vadd.scan.msk.s32 $0xffff, v8;
	v63 =	vnsel vm5, $0x0, v3  }
0xf7: {  	s2 =	simm.s32 $0x6110;
	p1 =	por p1, p1;
	p2 =	por p2, p2;
	v13 =	vnsel vm5, $0x0, v7;
	(xrf0) =	vadd.scan.msk.s32 $0xffff, v63  }
0xf8: {  	p3 =	por p3, p4;
	s1 =	smov.u32 @p0 s0;
	s0 =	simm.s32 $0x50;
	v7 =	vld [tilespmem:s2+$0x0];
	(xrf0) =	vadd.scan.msk.s32 $0xffff, v13  }
.LBB2_10:
0xf9: {  	s4 =	smov.u32 s1;
	p4 =	sne.s32 s0, $0x0;
	s1 =	sadd.s32 s1, s3  }
0xfa: {  	s5 =	smov.u32 s20;
	s20 =	smov.u32 s18;
	s18 =	smov.u32 s0  }
0xfb: {  	p5 =	por p1, p1;
	p1 =	por p2, p2;
	p2 =	por p0, p0;
	v11 =	vsub.s32 s1, v9  }
0xfc: {  	p0 =	por !p3, !p3;
	p6 =	sge.s32 s1, s15;
	v9 =	vmov v10;
	v10, _, _ =	vpop (xrf0);
	v12 =	vadd.s32 v6, v11  }
0xfd: {  	p0 =	por !p6, !p0;
	vm5 =	vlt.s32 v11, v4;
	p3 =	por p3, p6;
	v6 =	vmovc v5;
	v5 =	vmovc v8;
	(v2sf) =	vpush v10, $0xF;
	s3 =	spop (v2sf);
	vm6 =	vge.s32 v12, v4  }
0xfe: {  	p0 =	por !p0, !p0;
	s3 =	sadd.s32 s19, s3;
	s6 =	spop (v2sf);
	vm5 =	vmand vm5, vm6;
	vm6 =	vmmov vm4  }
.Ltmp6:
0xff: {  	s1 =	smov.u32 @p0 s4;
	(xrf0) =	vadd.scan.msk.s32 $0xffff, v7;
	vm6 =	vmneg @p0 vm6;
	v8, _, _ =	vpop (xrf0);
	s16 =	smov.u32 @p5 s3;
	(pc) =	sbr.rel @p4 .LBB2_10-.Ltmp6, $4  }
0x100: {  	s19 =	smov.u32 s28;
	s28 =	smov.u32 s26;
	s17 =	smov.u32 @p5 s6;
	vm5 =	vmand vm6, vm5;
	(v2sf) =	vpush v8, $0xF;
	v12, _, _ =	vpop (xrf0);
	v8 =	vmov v7  }
0x101: {  	s26 =	smov.u32 s25;
	s25 =	smov.u32 s24;
	s24 =	smov.u32 s23;
	v7 =	vnsel vm5, $0x0, v3;
	v11 =	vnsel vm5, $0x0, v11;
	(v2sf) =	vpush v12, $0xF  }
0x102: {  	s2 =	sadd.s32 $0xFFFFFFF0, s2;
	s23 =	smov.u32 s21;
	s21 =	smov.u32 s22;
	(xrf0) =	vadd.scan.msk.s32 $0xffff, v7  }
0x103: {  	s0 =	sadd.s32 $0xFFFFFFF0, s0;
	s22 =	smov.u32 s5;
	v7 =	vld [tilespmem:s2+$0x0];
	s3 =	spop (v2sf);
	(xrf0) =	vadd.scan.msk.s32 $0xffff, v11  }
0x104: {  	_ = 	snop  }
0x105: {  	v11, _, _ =	vpop (xrf0)  }
0x106: {  	(v2sf) =	vpush v11, $0xF;
	_ =	sdelay $0x1  }
0x107: {  	s3 =	sadd.s32 s1, s3  }
0x108: {  	p5 =	por !p3, !p3;
	p4 =	sge.s32 s3, s15  }
0x109: {  	s0 =	spop (v2sf);
	p5 =	por !p4, !p5  }
0x10a: {  	s29 =	spop (v2sf);
	p5 =	por !p5, !p5  }
0x10b: {  	v9 =	vsub.s32 s3, v9;
	s3 =	smov.u32 @p5 s1;
	s14 =	spop (v2sf)  }
0x10c: {  	s11 =	sadd.s32 $0xFFFFFFF0, s2;
	(xrf0) =	vadd.scan.msk.s32 $0xffff, v7;
	s2 =	sadd.s32 s3, s14  }
0x10d: {  	vm7 =	vmmov vm4;
	v6 =	vadd.s32 v6, v9;
	p3 =	por p3, p4;
	v10 =	vsub.s32 s2, v10  }
0x10e: {  	vm5 =	vlt.s32 v9, v4;
	vm6 =	vge.s32 v6, v4;
	p4 =	por !p3, !p3;
	s4 =	simm.s32 @!p5 $0x0;
	p6 =	sge.s32 s2, s15;
	v5 =	vadd.s32 v5, v10  }
0x10f: {  	v6 =	vld [tilespmem:s11+$0x0];
	vm5 =	vmand vm5, vm6;
	vm7 =	vmneg @p5 vm7;
	s4 =	simm.s32 @p5 $0x1;
	p5 =	por !p6, !p4  }
0x110: {  	v48, _, _ =	vpop (xrf0);
	vm5 =	vmand vm7, vm5;
	p5 =	por !p5, !p5  }
0x111: {  	(v2sf) =	vpush v48, $0xF;
	v12 =	vnsel vm5, $0x0, v3;
	vm6 =	vge.s32 v5, v4;
	s1 =	simm.s32 @!p5 $0x0;
	v5, _, _ =	vpop (xrf0)  }
0x112: {  	v9 =	vnsel vm5, $0x0, v9;
	(xrf0) =	vadd.scan.msk.s32 $0xffff, v12;
	s7 =	spop (v2sf);
	s1 =	simm.s32 @p5 $0x1;
	(v2sf) =	vpush v5, $0xF;
	v5, _, _ =	vpop (xrf0)  }
0x113: {  	s5 =	sadd.s32 $0xFFFFFFF0, s11;
	vm7 =	vmmov vm4;
	(xrf0) =	vadd.scan.msk.s32 $0xffff, v9;
	vm5 =	vlt.s32 v10, v4;
	[smem:$0x7FB] =	sst s1;
	s1 =	spop (v2sf);
	(v2sf) =	vpush v5, $0xF  }
0x114: {  	v49 =	vld [tilespmem:s5+$0x0];
	vm5 =	vmand vm5, vm6;
	vm7 =	vmneg @p5 vm7;
	s2 =	smov.u32 @p5 s3;
	(xrf0) =	vadd.scan.msk.s32 $0xffff, v6;
	s30 =	spop (v2sf)  }
0x115: {  	[smem:$0x7FA] =	sst s4;
	p3 =	por p3, p6;
	vm5 =	vmand vm7, vm5;
	s4 =	sadd.s32 s2, s30  }
0x116: {  	p4 =	por !p3, !p3;
	v50 =	vnsel vm5, $0x0, v3;
	v11 =	vsub.s32 s4, v11;
	p6 =	sge.s32 s4, s15  }
0x117: {  	v10 =	vnsel vm5, $0x0, v10;
	(xrf0) =	vadd.scan.msk.s32 $0xffff, v50;
	p5 =	por !p6, !p4;
	v8 =	vadd.s32 v8, v11  }
0x118: {  	s31 =	sadd.s32 $0xFFFFFFF0, s5;
	vm7 =	vmmov vm4;
	v51, _, _ =	vpop (xrf0);
	(xrf0) =	vadd.scan.msk.s32 $0xffff, v10;
	vm5 =	vlt.s32 v11, v4;
	p5 =	por !p5, !p5;
	vm6 =	vge.s32 v8, v4  }
0x119: {  	v53 =	vld [tilespmem:s31+$0x0];
	(v2sf) =	vpush v51, $0xF;
	v52, _, _ =	vpop (xrf0);
	(xrf0) =	vadd.scan.msk.s32 $0xffff, v49;
	vm5 =	vmand vm5, vm6;
	vm7 =	vmneg @p5 vm7  }
0x11a: {  	(v2sf) =	vpush v52, $0xF;
	v54, _, _ =	vpop (xrf0);
	vm5 =	vmand vm7, vm5  }
0x11b: {  	(v2sf) =	vpush v54, $0xF;
	v55 =	vnsel vm5, $0x0, v3  }
0x11c: {  	v11 =	vnsel vm5, $0x0, v11;
	(xrf0) =	vadd.scan.msk.s32 $0xffff, v55  }
0x11d: {  	v56, _, _ =	vpop (xrf0);
	(xrf0) =	vadd.scan.msk.s32 $0xffff, v11  }
0x11e: {  	(v2sf) =	vpush v56, $0xF;
	v57, _, _ =	vpop (xrf0);
	(xrf0) =	vadd.scan.msk.s32 $0xffff, v53  }
0x11f: {  	(v2sf) =	vpush v57, $0xF;
	v58, _, _ =	vpop (xrf0)  }
0x120: {  	s9 =	spop (v2sf);
	(v2sf) =	vpush v58, $0xF  }
0x121: {  	s30 =	spop (v2sf)  }
0x122: {  	s4 =	smov.u32 @p5 s2;
	v59, _, _ =	vpop (xrf0);
	s3 =	spop (v2sf)  }
0x123: {  	p3 =	por p3, p6;
	(v2sf) =	vpush v59, $0xF;
	v60, _, _ =	vpop (xrf0);
	s6 =	sadd.s32 s4, s3  }
0x124: {  	p4 =	por !p3, !p3;
	(v2sf) =	vpush v60, $0xF;
	v61, _, _ =	vpop (xrf0);
	p6 =	sge.s32 s6, s15  }
0x125: {  	(v2sf) =	vpush v61, $0xF;
	p4 =	por !p6, !p4  }
0x126: {  	p4 =	por !p4, !p4  }
0x127: {  	v5 =	vsub.s32 s6, v5;
	s3 =	simm.s32 @!p4 $0x0  }
0x128: {  	s5 =	simm.s32 @!p5 $0x0;
	s2 =	spop (v2sf);
	v7 =	vadd.s32 v7, v5;
	s3 =	simm.s32 @p4 $0x1  }
0x129: {  	s5 =	simm.s32 @p5 $0x1;
	vm7 =	vmmov vm4;
	vm5 =	vlt.s32 v5, v4;
	vm6 =	vge.s32 v7, v4;
	[smem:$0x7FD] =	sst s3;
	s3 =	spop (v2sf)  }
0x12a: {  	[smem:$0x7FC] =	sst s5;
	vm5 =	vmand vm5, vm6;
	vm7 =	vmneg @p4 vm7;
	s6 =	smov.u32 @p4 s4;
	s5 =	spop (v2sf)  }
0x12b: {  	p3 =	por p3, p6;
	vm5 =	vmand vm7, vm5;
	s11 =	sadd.s32 s6, s5  }
0x12c: {  	p6 =	por !p3, !p3;
	v7 =	vnsel vm5, $0x0, v3;
	p5 =	sge.s32 s11, s15  }
0x12d: {  	v5 =	vnsel vm5, $0x0, v5;
	(xrf0) =	vadd.scan.msk.s32 $0xffff, v7;
	s5 =	spop (v2sf);
	p4 =	por !p5, !p6  }
0x12e: {  	(xrf0) =	vadd.scan.msk.s32 $0xffff, v5;
	s10 =	spop (v2sf);
	p6 =	por !p4, !p4  }
0x12f: {  	v5 =	vsub.s32 s11, v54;
	s11 =	smov.u32 @p6 s6;
	s6 =	spop (v2sf)  }
0x130: {  	p5 =	por p3, p5;
	v6 =	vadd.s32 v6, v5;
	s31 =	sadd.s32 s11, s6  }
0x131: {  	vm7 =	vmmov vm4;
	vm5 =	vlt.s32 v5, v4;
	vm6 =	vge.s32 v6, v4;
	p4 =	por !p5, !p5;
	p3 =	sge.s32 s31, s15  }
0x132: {  	vm5 =	vmand vm5, vm6;
	vm7 =	vmneg @p6 vm7;
	p4 =	por !p3, !p4;
	s4 =	spop (v2sf)  }
0x133: {  	vm8 =	vmmov vm4;
	v6, _, _ =	vpop (xrf0);
	vm5 =	vmand vm7, vm5;
	vm7 =	vmmov vm4;
	p4 =	por !p4, !p4;
	s6 =	spop (v2sf)  }
0x134: {  	v7 =	vsub.s32 s31, v58;
	v62 =	vnsel vm5, $0x0, v3;
	(v2sf) =	vpush v6, $0xF;
	v6, _, _ =	vpop (xrf0);
	s31 =	smov.u32 @p4 s11;
	s8 =	spop (v2sf)  }
0x135: {  	v5 =	vnsel vm5, $0x0, v5;
	p3 =	por p5, p3;
	(v2sf) =	vpush v6, $0xF;
	v6 =	vadd.s32 v49, v7;
	s11 =	sadd.s32 s31, s8  }
0x136: {  	vm5 =	vlt.s32 v7, v4;
	p3 =	por !p3, !p3;
	vm6 =	vge.s32 v6, v4;
	v6 =	vsub.s32 s11, v61;
	p5 =	sge.s32 s11, s15  }
0x137: {  	vm7 =	vmneg @p4 vm7;
	vm5 =	vmand vm5, vm6;
	p3 =	por !p5, !p3;
	v63 =	vadd.s32 v53, v6  }
0x138: {  	(xrf0) =	vadd.scan.msk.s32 $0xffff, v62;
	vm5 =	vmand vm7, vm5;
	vm6 =	vlt.s32 v6, v4;
	p5 =	por !p3, !p3;
	vm7 =	vge.s32 v63, v4  }
0x139: {  	(xrf0) =	vadd.scan.msk.s32 $0xffff, v5;
	v4 =	vnsel vm5, $0x0, v3;
	vm6 =	vmand vm6, vm7;
	vm8 =	vmneg @p5 vm8  }
0x13a: {  	v5 =	vnsel vm5, $0x0, v7;
	(xrf0) =	vadd.scan.msk.s32 $0xffff, v4;
	vm5 =	vmand vm8, vm6  }
0x13b: {  	(xrf0) =	vadd.scan.msk.s32 $0xffff, v5;
	v4 =	vnsel vm5, $0x0, v3  }
0x13c: {  	p1 =	por p1, p1;
	(xrf0) =	vadd.scan.msk.s32 $0xffff, v4  }
0x13d: {  	p2 =	por p2, p2;
	p0 =	por p0, p0;
	s0 =	sadd.s32 s19, s0;
	v5 =	vnsel vm5, $0x0, v6  }
0x13e: {  	p2 =	por p2, p2;
	p0 =	por p0, p0;
	s14 =	sld [smem:$0x7FA];
	v4, _, _ =	vpop (xrf0);
	(xrf0) =	vadd.scan.msk.s32 $0xffff, v5  }
0x13f: {  	s16 =	smov.u32 @p1 s0;
	p0 =	por p0, p0;
	s0 =	sadd.s32 s28, s7;
	(v2sf) =	vpush v4, $0xF;
	v4, _, _ =	vpop (xrf0)  }
0x140: {  	s16 =	smov.u32 @p2 s0;
	s0 =	sadd.s32 s26, s9;
	s26 =	sld [smem:$0x7FC];
	v5, _, _ =	vpop (xrf0);
	(v2sf) =	vpush v4, $0xF  }
0x141: {  	s17 =	smov.u32 @p1 s29;
	s16 =	smov.u32 @p0 s0;
	p3 =	seq.s32 s14, $0x1;
	(v2sf) =	vpush v5, $0xF;
	v4, _, _ =	vpop (xrf0)  }
0x142: {  	s0 =	sadd.s32 s25, s2;
	s25 =	sld [smem:$0x7FB];
	p1 =	por p3, p3;
	(v2sf) =	vpush v4, $0xF;
	v4, _, _ =	vpop (xrf0)  }
0x143: {  	s17 =	smov.u32 @p2 s1;
	p2 =	seq.s32 s26, $0x1;
	p1 =	por p1, p1;
	(v2sf) =	vpush v4, $0xF  }
0x144: {  	s17 =	smov.u32 @p0 s30;
	s28 =	sld [smem:$0x7FD];
	p1 =	por p1, p1;
	v4, _, _ =	vpop (xrf0)  }
0x145: {  	s16 =	smov.u32 @p1 s0;
	s17 =	smov.u32 @p1 s3;
	p1 =	seq.s32 s25, $0x1;
	(v2sf) =	vpush v4, $0xF  }
0x146: {  	[tilespmem:$0x6080] =	vst v1;
	s2 =	sadd.s32 s24, s5;
	p6 =	por p6, p6;
	p0 =	por p1, p1  }
0x147: {  	[tilespmem:$0x6090] =	vst v1;
	p3 =	seq.s32 s28, $0x1;
	p5 =	por p5, p5;
	p0 =	por p0, p0  }
0x148: {  	[tilespmem:$0x60A0] =	vst v1;
	p1 =	por p2, p2;
	p2 =	por p3, p3;
	p0 =	por p0, p0  }
0x149: {  	[tilespmem:$0x60B0] =	vst v1;
	p1 =	por p1, p1;
	p3 =	por p2, p2;
	s16 =	smov.u32 @p0 s2  }
0x14a: {  	[tilespmem:$0x60C0] =	vst v1;
	s17 =	smov.u32 @p0 s10;
	p0 =	por p1, p1;
	s2 =	sadd.s32 s23, s4  }
0x14b: {  	[tilespmem:$0x60D0] =	vst v1;
	p2 =	por p6, p6;
	s19 =	spop (v2sf);
	s16 =	smov.u32 @p0 s2  }
0x14c: {  	[tilespmem:$0x60E0] =	vst v1;
	s17 =	smov.u32 @p0 s6;
	p0 =	por p3, p3;
	p3 =	por p4, p4  }
0x14d: {  	[tilespmem:$0x60F0] =	vst v1;
	s1 =	spop (v2sf);
	s0 =	sadd.s32 s21, s19;
	p4 =	por p3, p3  }
0x14e: {  	[tilespmem:$0x6100] =	vst v1;
	s16 =	smov.u32 @p0 s0;
	s17 =	smov.u32 @p0 s1;
	s29 =	spop (v2sf)  }
0x14f: {  	[tilespmem:$0x6110] =	vst v1;
	p0 =	por p2, p2;
	s0 =	sadd.s32 s22, s29;
	s1 =	spop (v2sf)  }
0x150: {  	[tilespmem:$0x6120] =	vst v1;
	s16 =	smov.u32 @p0 s0;
	s17 =	smov.u32 @p0 s1;
	s30 =	spop (v2sf)  }
0x151: {  	[tilespmem:$0x6130] =	vst v1;
	p0 =	por p4, p4;
	s0 =	sadd.s32 s20, s30;
	s1 =	spop (v2sf)  }
0x152: {  	[tilespmem:$0x6140] =	vst v1;
	p6 =	por p5, p5;
	s16 =	smov.u32 @p0 s0;
	s31 =	spop (v2sf)  }
0x153: {  	[tilespmem:$0x6150] =	vst v1;
	s17 =	smov.u32 @p0 s1;
	p0 =	por p6, p6;
	s0 =	sadd.s32 s18, s31  }
0x154: {  	[tilespmem:$0x6160] =	vst v1;
	s1 =	spop (v2sf);
	s16 =	smov.u32 @p0 s0  }
0x155: {  	[tilespmem:$0x6170] =	vst v1;
	s0 =	simm.s32 $0x40;
	s17 =	smov.u32 @p0 s1;
	v4 =	vmov s16;
	s1 =	simm.s32 $0x0  }
.LBB2_12:
0x156: {  	p0 =	seq.s32 s0, $0x17FC0;
	v5 =	vld [tilespmem:s1+$0x0];
	_ =	sdelay $0x4  }
0x157: {  	v6 =	vshrl.u32 v5, $0x18  }
0x158: {  	vm5 =	vgt.s32 v5, $0xFFFFFFFF;
	vm6 =	veq.s32 v6, v4  }
0x159: {  	v5 =	vshrl.u32 v5, $0x10;
	vm5 =	vmand vm5, vm6  }
0x15a: {  	v5 =	vand.u32 $0xFF, v5  }
.Ltmp7:
0x15b: {  	(pc) =	sbr.rel @!p0 .LBB2_12-.Ltmp7, $2  }
0x15c: {  	_ =	sdelay $0x2  }
0x15d: {  	s1 =	sshra.s32 s0, $0x2;
	s0 =	sadd.s32 $0x40, s0;
	[tilespmem:v5+s12+$0x0] =	vst.idx.add.s32.msk vm5, v2  }
0x15e: {  	v5 =	vld [tilespmem:s1+$0x0];
	_ =	sdelay $0x4  }
0x15f: {  	v6 =	vshrl.u32 v5, $0x18  }
0x160: {  	vm5 =	vgt.s32 v5, $0xFFFFFFFF;
	vm6 =	veq.s32 v6, v4  }
0x161: {  	v4 =	vshrl.u32 v5, $0x10;
	vm5 =	vmand vm5, vm6  }
0x162: {  	v4 =	vand.u32 $0xFF, v4;
	_ =	sdelay $0x4  }
0x163: {  	s0 =	simm.s32 $0x6170;
	[tilespmem:v4+s12+$0x0] =	vst.idx.add.s32.msk vm5, v2  }
0x164: {  	v5 =	vld [tilespmem:s0+$0x0];
	_ =	sdelay $0x3  }
0x165: {  	s21 =	simm.s32 $0x6160  }
0x166: {  	v7 =	vld [tilespmem:s21+$0x0];
	(xrf0) =	vadd.scan.msk.s32 $0xffff, v5;
	_ =	sdelay $0x4  }
0x167: {  	s22 =	simm.s32 $0x6150;
	(xrf0) =	vadd.scan.msk.s32 $0xffff, v7  }
0x168: {  	v10 =	vld [tilespmem:s22+$0x0];
	v8, _, _ =	vpop (xrf0)  }
0x169: {  	(v2sf) =	vpush v8, $0xF;
	_ =	sdelay $0x3  }
0x16a: {  	(xrf0) =	vadd.scan.msk.s32 $0xffff, v10;
	v11, _, _ =	vpop (xrf0)  }
0x16b: {  	(v2sf) =	vpush v11, $0xF;
	_ =	sdelay $0x4  }
0x16c: {  	s23 =	simm.s32 $0x6140;
	v12, _, _ =	vpop (xrf0)  }
0x16d: {  	v6 =	vld [tilespmem:s23+$0x0];
	(v2sf) =	vpush v12, $0xF;
	_ =	sdelay $0x3  }
0x16e: {  	s24 =	spop (v2sf)  }
0x16f: {  	s17 =	ssub.s32 s15, s17;
	p0 =	por $0x0, $0x0;
	(xrf0) =	vadd.scan.msk.s32 $0xffff, v6;
	s1 =	sadd.s32 $0x0, s24  }
0x170: {  	p1 =	por !p0, !p0;
	p2 =	sge.s32 s1, s17  }
0x171: {  	p1 =	por !p2, !p1  }
0x172: {  	s18 =	simm.s32 $0x0;
	v8 =	vsub.s32 s1, v8;
	p1 =	por !p1, !p1  }
0x173: {  	vm7 =	vmmov vm4;
	v4 =	vmov s17;
	s25 =	spop (v2sf);
	v5 =	vadd.s32 v5, v8;
	s1 =	smov.u32 @p1 s18  }
0x174: {  	s2 =	simm.s32 $0x6130;
	vm8 =	vmmov vm4;
	vm5 =	vlt.s32 v8, v4;
	p0 =	por p0, p2;
	vm6 =	vge.s32 v5, v4;
	s0 =	sadd.s32 s1, s25  }
0x175: {  	v9, _, _ =	vpop (xrf0);
	v5 =	vld [tilespmem:s2+$0x0];
	p2 =	por !p0, !p0;
	vm5 =	vmand vm5, vm6;
	vm7 =	vmneg @p1 vm7;
	v11 =	vsub.s32 s0, v11;
	p3 =	sge.s32 s0, s17  }
0x176: {  	(v2sf) =	vpush v9, $0xF;
	vm5 =	vmand vm7, vm5;
	p2 =	por !p3, !p2;
	v7 =	vadd.s32 v7, v11  }
0x177: {  	vm7 =	vlt.s32 v11, v4;
	vm6 =	vge.s32 v7, v4;
	v7 =	vnsel vm5, $0x0, v3;
	p2 =	por !p2, !p2  }
0x178: {  	v8 =	vnsel vm5, $0x0, v8;
	(xrf0) =	vadd.scan.msk.s32 $0xffff, v7;
	vm5 =	vmand vm7, vm6;
	vm8 =	vmneg @p2 vm8  }
0x179: {  	s26 =	spop (v2sf);
	s0 =	smov.u32 @p2 s1;
	(xrf0) =	vadd.scan.msk.s32 $0xffff, v8;
	vm5 =	vmand vm8, vm5  }
0x17a: {  	s1 =	sadd.s32 s0, s26;
	(xrf0) =	vadd.scan.msk.s32 $0xffff, v5;
	v7 =	vnsel vm5, $0x0, v3  }
0x17b: {  	v11 =	vnsel vm5, $0x0, v11;
	(xrf0) =	vadd.scan.msk.s32 $0xffff, v7;
	v7 =	vsub.s32 s1, v12  }
0x17c: {  	v10 =	vadd.s32 v10, v7;
	_ =	sdelay $0x1  }
0x17d: {  	(xrf0) =	vadd.scan.msk.s32 $0xffff, v11;
	v11, _, _ =	vpop (xrf0)  }
0x17e: {  	vm6 =	vge.s32 v10, v4;
	v10, _, _ =	vpop (xrf0);
	(v2sf) =	vpush v11, $0xF  }
0x17f: {  	(v2sf) =	vpush v10, $0xF  }
0x180: {  	s31 =	simm.s32 $0x6120;
	p3 =	por p0, p3  }
0x181: {  	p0 =	por !p3, !p3;
	v8 =	vld [tilespmem:s31+$0x0];
	p4 =	sge.s32 s1, s17;
	v10, _, _ =	vpop (xrf0)  }
0x182: {  	s20 =	simm.s32 $0xF0;
	s30 =	simm.s32 $0xE0;
	p0 =	por !p4, !p0;
	(v2sf) =	vpush v10, $0xF;
	v11, _, _ =	vpop (xrf0)  }
0x183: {  	s29 =	simm.s32 $0xD0;
	s28 =	simm.s32 $0xC0;
	vm7 =	vmmov vm4;
	vm5 =	vlt.s32 v7, v4;
	p0 =	por !p0, !p0;
	(v2sf) =	vpush v11, $0xF;
	v11, _, _ =	vpop (xrf0)  }
0x184: {  	s19 =	simm.s32 $0x0;
	s23 =	simm.s32 $0x80;
	s21 =	simm.s32 $0x70;
	vm7 =	vmneg @p0 vm7;
	vm5 =	vmand vm5, vm6;
	(v2sf) =	vpush v11, $0xF  }
0x185: {  	s22 =	simm.s32 $0x60;
	s24 =	simm.s32 $0x90;
	s3 =	spop (v2sf);
	vm5 =	vmand vm7, vm5  }
0x186: {  	s2 =	simm.s32 $0x6110;
	p1 =	por p1, p1;
	s25 =	simm.s32 $0xA0;
	(xrf0) =	vadd.scan.msk.s32 $0xffff, v8;
	v63 =	vnsel vm5, $0x0, v3  }
0x187: {  	p1 =	por p1, p1;
	p2 =	por p2, p2;
	s26 =	simm.s32 $0xB0;
	v13 =	vnsel vm5, $0x0, v7;
	(xrf0) =	vadd.scan.msk.s32 $0xffff, v63  }
0x188: {  	p3 =	por p3, p4;
	s1 =	smov.u32 @p0 s0;
	s0 =	simm.s32 $0x50;
	v7 =	vld [tilespmem:s2+$0x0];
	(xrf0) =	vadd.scan.msk.s32 $0xffff, v13  }
.LBB2_14:
0x189: {  	s4 =	smov.u32 s1;
	p4 =	sne.s32 s0, $0x0;
	s1 =	sadd.s32 s1, s3  }
0x18a: {  	s5 =	smov.u32 s21;
	s21 =	smov.u32 s22;
	s22 =	smov.u32 s0  }
0x18b: {  	p5 =	por p1, p1;
	p1 =	por p2, p2;
	p2 =	por p0, p0;
	v11 =	vsub.s32 s1, v9  }
0x18c: {  	p0 =	por !p3, !p3;
	p6 =	sge.s32 s1, s17;
	v9 =	vmov v10;
	v10, _, _ =	vpop (xrf0);
	v12 =	vadd.s32 v6, v11  }
0x18d: {  	p0 =	por !p6, !p0;
	vm5 =	vlt.s32 v11, v4;
	p3 =	por p3, p6;
	v6 =	vmovc v5;
	v5 =	vmovc v8;
	(v2sf) =	vpush v10, $0xF;
	s3 =	spop (v2sf);
	vm6 =	vge.s32 v12, v4  }
0x18e: {  	p0 =	por !p0, !p0;
	s3 =	sadd.s32 s20, s3;
	s6 =	spop (v2sf);
	vm5 =	vmand vm5, vm6;
	vm6 =	vmmov vm4  }
.Ltmp8:
0x18f: {  	s1 =	smov.u32 @p0 s4;
	(xrf0) =	vadd.scan.msk.s32 $0xffff, v7;
	vm6 =	vmneg @p0 vm6;
	v8, _, _ =	vpop (xrf0);
	s18 =	smov.u32 @p5 s3;
	(pc) =	sbr.rel @p4 .LBB2_14-.Ltmp8, $4  }
0x190: {  	s20 =	smov.u32 s30;
	s30 =	smov.u32 s29;
	s19 =	smov.u32 @p5 s6;
	vm5 =	vmand vm6, vm5;
	(v2sf) =	vpush v8, $0xF;
	v12, _, _ =	vpop (xrf0);
	v8 =	vmov v7  }
0x191: {  	s29 =	smov.u32 s28;
	s28 =	smov.u32 s26;
	s26 =	smov.u32 s25;
	v7 =	vnsel vm5, $0x0, v3;
	v11 =	vnsel vm5, $0x0, v11;
	(v2sf) =	vpush v12, $0xF  }
0x192: {  	s2 =	sadd.s32 $0xFFFFFFF0, s2;
	s25 =	smov.u32 s24;
	s24 =	smov.u32 s23;
	(xrf0) =	vadd.scan.msk.s32 $0xffff, v7  }
0x193: {  	s0 =	sadd.s32 $0xFFFFFFF0, s0;
	s23 =	smov.u32 s5;
	v7 =	vld [tilespmem:s2+$0x0];
	s3 =	spop (v2sf);
	(xrf0) =	vadd.scan.msk.s32 $0xffff, v11  }
0x194: {  	_ = 	snop  }
0x195: {  	v11, _, _ =	vpop (xrf0)  }
0x196: {  	(v2sf) =	vpush v11, $0xF;
	_ =	sdelay $0x2  }
0x197: {  	s3 =	sadd.s32 s1, s3  }
0x198: {  	p5 =	por !p3, !p3;
	p4 =	sge.s32 s3, s17  }
0x199: {  	s0 =	spop (v2sf);
	p5 =	por !p4, !p5  }
0x19a: {  	s31 =	spop (v2sf);
	p5 =	por !p5, !p5  }
0x19b: {  	v9 =	vsub.s32 s3, v9;
	s3 =	smov.u32 @p5 s1;
	s8 =	spop (v2sf)  }
0x19c: {  	s6 =	sadd.s32 $0xFFFFFFF0, s2;
	v6 =	vadd.s32 v6, v9;
	p3 =	por p3, p4;
	s2 =	sadd.s32 s3, s8  }
0x19d: {  	vm7 =	vmmov vm4;
	vm5 =	vlt.s32 v9, v4;
	vm6 =	vge.s32 v6, v4;
	p4 =	por !p3, !p3;
	s4 =	simm.s32 @!p5 $0x0;
	p6 =	sge.s32 s2, s17  }
0x19e: {  	v6 =	vld [tilespmem:s6+$0x0];
	(xrf0) =	vadd.scan.msk.s32 $0xffff, v7;
	vm5 =	vmand vm5, vm6;
	vm7 =	vmneg @p5 vm7;
	s4 =	simm.s32 @p5 $0x1;
	p5 =	por !p6, !p4  }
0x19f: {  	vm5 =	vmand vm7, vm5;
	v10 =	vsub.s32 s2, v10;
	p5 =	por !p5, !p5  }
0x1a0: {  	v12 =	vnsel vm5, $0x0, v3;
	v5 =	vadd.s32 v5, v10;
	s1 =	simm.s32 @!p5 $0x0  }
0x1a1: {  	[smem:$0x7F6] =	sst s4;
	v9 =	vnsel vm5, $0x0, v9;
	(xrf0) =	vadd.scan.msk.s32 $0xffff, v12;
	s7 =	spop (v2sf);
	s1 =	simm.s32 @p5 $0x1  }
0x1a2: {  	v45, _, _ =	vpop (xrf0);
	vm7 =	vmmov vm4;
	s4 =	sadd.s32 $0xFFFFFFF0, s6;
	(xrf0) =	vadd.scan.msk.s32 $0xffff, v9;
	vm5 =	vlt.s32 v10, v4;
	vm6 =	vge.s32 v5, v4;
	[smem:$0x7F7] =	sst s1;
	s1 =	spop (v2sf)  }
0x1a3: {  	(v2sf) =	vpush v45, $0xF;
	v46 =	vld [tilespmem:s4+$0x0];
	vm5 =	vmand vm5, vm6;
	vm7 =	vmneg @p5 vm7;
	s2 =	smov.u32 @p5 s3;
	v5, _, _ =	vpop (xrf0);
	(xrf0) =	vadd.scan.msk.s32 $0xffff, v6;
	s9 =	spop (v2sf)  }
0x1a4: {  	p3 =	por p3, p6;
	vm5 =	vmand vm7, vm5;
	(v2sf) =	vpush v5, $0xF;
	v5, _, _ =	vpop (xrf0);
	s3 =	sadd.s32 s2, s9  }
0x1a5: {  	p4 =	por !p3, !p3;
	v47 =	vnsel vm5, $0x0, v3;
	(v2sf) =	vpush v5, $0xF;
	v11 =	vsub.s32 s3, v11;
	p6 =	sge.s32 s3, s17  }
0x1a6: {  	v10 =	vnsel vm5, $0x0, v10;
	(xrf0) =	vadd.scan.msk.s32 $0xffff, v47;
	p5 =	por !p6, !p4;
	v8 =	vadd.s32 v8, v11  }
0x1a7: {  	s4 =	sadd.s32 $0xFFFFFFF0, s4;
	vm7 =	vmmov vm4;
	v48, _, _ =	vpop (xrf0);
	(xrf0) =	vadd.scan.msk.s32 $0xffff, v10;
	vm5 =	vlt.s32 v11, v4;
	p5 =	por !p5, !p5;
	vm6 =	vge.s32 v8, v4  }
0x1a8: {  	v50 =	vld [tilespmem:s4+$0x0];
	(v2sf) =	vpush v48, $0xF;
	v49, _, _ =	vpop (xrf0);
	(xrf0) =	vadd.scan.msk.s32 $0xffff, v46;
	vm5 =	vmand vm5, vm6;
	vm7 =	vmneg @p5 vm7  }
0x1a9: {  	(v2sf) =	vpush v49, $0xF;
	v51, _, _ =	vpop (xrf0);
	vm5 =	vmand vm7, vm5  }
0x1aa: {  	(v2sf) =	vpush v51, $0xF;
	v52 =	vnsel vm5, $0x0, v3  }
0x1ab: {  	v11 =	vnsel vm5, $0x0, v11;
	(xrf0) =	vadd.scan.msk.s32 $0xffff, v52  }
0x1ac: {  	v53, _, _ =	vpop (xrf0);
	(xrf0) =	vadd.scan.msk.s32 $0xffff, v11  }
0x1ad: {  	(v2sf) =	vpush v53, $0xF;
	v54, _, _ =	vpop (xrf0);
	(xrf0) =	vadd.scan.msk.s32 $0xffff, v50  }
0x1ae: {  	(v2sf) =	vpush v54, $0xF;
	v55, _, _ =	vpop (xrf0)  }
0x1af: {  	(v2sf) =	vpush v55, $0xF;
	_ =	sdelay $0x1  }
0x1b0: {  	v56, _, _ =	vpop (xrf0)  }
0x1b1: {  	s9 =	spop (v2sf);
	(v2sf) =	vpush v56, $0xF;
	v57, _, _ =	vpop (xrf0)  }
0x1b2: {  	s11 =	spop (v2sf);
	(v2sf) =	vpush v57, $0xF;
	v58, _, _ =	vpop (xrf0)  }
0x1b3: {  	s3 =	smov.u32 @p5 s2;
	s10 =	spop (v2sf);
	(v2sf) =	vpush v58, $0xF  }
0x1b4: {  	p3 =	por p3, p6;
	s5 =	simm.s32 @!p5 $0x0;
	s4 =	sadd.s32 s3, s10  }
0x1b5: {  	p4 =	por !p3, !p3;
	s5 =	simm.s32 @p5 $0x1;
	p6 =	sge.s32 s4, s17  }
0x1b6: {  	[smem:$0x7F8] =	sst s5;
	s5 =	spop (v2sf);
	p4 =	por !p6, !p4  }
0x1b7: {  	s2 =	spop (v2sf);
	p4 =	por !p4, !p4  }
0x1b8: {  	v5 =	vsub.s32 s4, v5;
	s4 =	smov.u32 @p4 s3;
	s14 =	spop (v2sf)  }
0x1b9: {  	p3 =	por p3, p6;
	s14 =	sadd.s32 s4, s14  }
0x1ba: {  	v7 =	vadd.s32 v7, v5;
	p6 =	por !p3, !p3;
	s3 =	simm.s32 @!p4 $0x0;
	p5 =	sge.s32 s14, s17  }
0x1bb: {  	vm7 =	vmmov vm4;
	vm5 =	vlt.s32 v5, v4;
	vm6 =	vge.s32 v7, v4;
	s3 =	simm.s32 @p4 $0x1;
	s10 =	spop (v2sf);
	p6 =	por !p5, !p6  }
0x1bc: {  	vm5 =	vmand vm5, vm6;
	vm7 =	vmneg @p4 vm7;
	[smem:$0x7F9] =	sst s3;
	s3 =	spop (v2sf);
	p6 =	por !p6, !p6  }
0x1bd: {  	vm5 =	vmand vm7, vm5;
	v7 =	vsub.s32 s14, v51;
	s6 =	spop (v2sf);
	s14 =	smov.u32 @p6 s4  }
0x1be: {  	vm7 =	vmmov vm4;
	v59 =	vnsel vm5, $0x0, v3;
	p5 =	por p3, p5;
	v6 =	vadd.s32 v6, v7;
	s8 =	sadd.s32 s14, s6  }
0x1bf: {  	v5 =	vnsel vm5, $0x0, v5;
	(xrf0) =	vadd.scan.msk.s32 $0xffff, v59;
	vm5 =	vlt.s32 v7, v4;
	p4 =	por !p5, !p5;
	vm6 =	vge.s32 v6, v4;
	p3 =	sge.s32 s8, s17  }
0x1c0: {  	vm5 =	vmand vm5, vm6;
	vm7 =	vmneg @p6 vm7;
	p4 =	por !p3, !p4;
	s6 =	spop (v2sf)  }
0x1c1: {  	(xrf0) =	vadd.scan.msk.s32 $0xffff, v5;
	vm5 =	vmand vm7, vm5;
	v5 =	vsub.s32 s8, v55;
	p4 =	por !p4, !p4;
	s4 =	spop (v2sf)  }
0x1c2: {  	v6 =	vnsel vm5, $0x0, v3;
	v60 =	vadd.s32 v46, v5;
	s8 =	smov.u32 @p4 s14;
	s14 =	spop (v2sf)  }
0x1c3: {  	v7 =	vnsel vm5, $0x0, v7;
	vm6 =	vlt.s32 v5, v4;
	vm7 =	vge.s32 v60, v4;
	s8 =	sadd.s32 s8, s14  }
0x1c4: {  	p3 =	por p5, p3;
	vm5 =	vmand vm6, vm7;
	vm6 =	vmmov vm4;
	v61 =	vsub.s32 s8, v58  }
0x1c5: {  	p3 =	por !p3, !p3;
	v63, _, _ =	vpop (xrf0);
	vm6 =	vmneg @p4 vm6;
	p5 =	sge.s32 s8, s17;
	v62 =	vadd.s32 v50, v61  }
0x1c6: {  	(v2sf) =	vpush v63, $0xF;
	p3 =	por !p5, !p3;
	vm7 =	vlt.s32 v61, v4;
	vm8 =	vge.s32 v62, v4  }
0x1c7: {  	(xrf0) =	vadd.scan.msk.s32 $0xffff, v6;
	vm5 =	vmand vm6, vm5;
	v4, _, _ =	vpop (xrf0);
	p5 =	por !p3, !p3;
	vm6 =	vmand vm7, vm8;
	vm7 =	vmmov vm4  }
0x1c8: {  	(xrf0) =	vadd.scan.msk.s32 $0xffff, v7;
	(v2sf) =	vpush v4, $0xF;
	v4 =	vnsel vm5, $0x0, v3;
	vm7 =	vmneg @p5 vm7  }
0x1c9: {  	v5 =	vnsel vm5, $0x0, v5;
	(xrf0) =	vadd.scan.msk.s32 $0xffff, v4;
	vm5 =	vmand vm7, vm6  }
0x1ca: {  	(xrf0) =	vadd.scan.msk.s32 $0xffff, v5;
	v4 =	vnsel vm5, $0x0, v3  }
0x1cb: {  	(xrf0) =	vadd.scan.msk.s32 $0xffff, v4  }
0x1cc: {  	p1 =	por p1, p1;
	p2 =	por p2, p2;
	p0 =	por p0, p0;
	v5 =	vnsel vm5, $0x0, v61  }
0x1cd: {  	s0 =	sadd.s32 s20, s0;
	p2 =	por p2, p2;
	p0 =	por p0, p0;
	v4, _, _ =	vpop (xrf0)  }
0x1ce: {  	s18 =	smov.u32 @p1 s0;
	s19 =	smov.u32 @p1 s31;
	s0 =	sadd.s32 s30, s7;
	(xrf0) =	vadd.scan.msk.s32 $0xffff, v5;
	(v2sf) =	vpush v4, $0xF;
	v4, _, _ =	vpop (xrf0)  }
0x1cf: {  	p0 =	por p0, p0;
	s18 =	smov.u32 @p2 s0;
	s8 =	sld [smem:$0x7F6];
	v5, _, _ =	vpop (xrf0);
	(v2sf) =	vpush v4, $0xF  }
0x1d0: {  	s19 =	smov.u32 @p2 s1;
	s0 =	sadd.s32 s29, s9;
	s9 =	sld [smem:$0x7F7];
	(v2sf) =	vpush v5, $0xF;
	v4, _, _ =	vpop (xrf0)  }
0x1d1: {  	s18 =	smov.u32 @p0 s0;
	s19 =	smov.u32 @p0 s11;
	(v2sf) =	vpush v4, $0xF;
	v4, _, _ =	vpop (xrf0)  }
0x1d2: {  	s0 =	sadd.s32 s28, s5;
	s20 =	sld [smem:$0x7F9];
	p2 =	seq.s32 s8, $0x1;
	(v2sf) =	vpush v4, $0xF  }
0x1d3: {  	s14 =	sld [smem:$0x7F8];
	p3 =	seq.s32 s9, $0x1;
	p1 =	por p2, p2  }
0x1d4: {  	p6 =	por p6, p6;
	p0 =	por p3, p3;
	p1 =	por p1, p1;
	v4, _, _ =	vpop (xrf0)  }
0x1d5: {  	p3 =	seq.s32 s20, $0x1;
	p0 =	por p0, p0;
	p1 =	por p1, p1;
	(v2sf) =	vpush v4, $0xF  }
0x1d6: {  	[tilespmem:$0x6080] =	vst v1;
	p2 =	seq.s32 s14, $0x1;
	p0 =	por p0, p0;
	s18 =	smov.u32 @p1 s0  }
0x1d7: {  	[tilespmem:$0x6090] =	vst v1;
	s19 =	smov.u32 @p1 s2;
	p1 =	por p2, p2;
	s2 =	sadd.s32 s26, s10  }
0x1d8: {  	[tilespmem:$0x60A0] =	vst v1;
	p2 =	por p3, p3;
	p1 =	por p1, p1;
	s18 =	smov.u32 @p0 s2  }
0x1d9: {  	[tilespmem:$0x60B0] =	vst v1;
	s19 =	smov.u32 @p0 s3;
	p3 =	por p2, p2;
	s2 =	sadd.s32 s25, s6  }
0x1da: {  	[tilespmem:$0x60C0] =	vst v1;
	p2 =	por p6, p6;
	p6 =	por p5, p5;
	p0 =	por p1, p1  }
0x1db: {  	[tilespmem:$0x60D0] =	vst v1;
	p1 =	por p3, p3;
	p3 =	por p4, p4;
	s11 =	spop (v2sf)  }
0x1dc: {  	[tilespmem:$0x60E0] =	vst v1;
	s18 =	smov.u32 @p0 s2;
	s19 =	smov.u32 @p0 s4;
	s1 =	spop (v2sf)  }
0x1dd: {  	[tilespmem:$0x60F0] =	vst v1;
	p0 =	por p2, p2;
	p4 =	por p3, p3;
	s28 =	spop (v2sf)  }
0x1de: {  	[tilespmem:$0x6100] =	vst v1;
	s0 =	sadd.s32 s24, s11;
	s19 =	smov.u32 @p1 s1;
	s1 =	spop (v2sf)  }
0x1df: {  	[tilespmem:$0x6110] =	vst v1;
	s18 =	smov.u32 @p1 s0;
	s0 =	sadd.s32 s23, s28;
	s29 =	spop (v2sf)  }
0x1e0: {  	[tilespmem:$0x6120] =	vst v1;
	p2 =	por p6, p6;
	s18 =	smov.u32 @p0 s0;
	s0 =	spop (v2sf)  }
0x1e1: {  	[tilespmem:$0x6130] =	vst v1;
	p1 =	por p4, p4;
	s2 =	sadd.s32 s21, s29;
	s30 =	spop (v2sf)  }
0x1e2: {  	[tilespmem:$0x6140] =	vst v1;
	p2 =	por p2, p2;
	s18 =	smov.u32 @p1 s2;
	s2 =	sadd.s32 s22, s30  }
0x1e3: {  	s31 =	sshll.u32 s16, $0x8;
	[tilespmem:$0x6150] =	vst v1;
	s19 =	smov.u32 @p0 s1;
	s18 =	smov.u32 @p2 s2  }
0x1e4: {  	[tilespmem:$0x6160] =	vst v1;
	s19 =	smov.u32 @p1 s0;
	s0 =	spop (v2sf);
	s18 =	sadd.s32 s31, s18  }
0x1e5: {  	[tilespmem:$0x6170] =	vst v1;
	s1 =	simm.s32 $0x0;
	s19 =	smov.u32 @p2 s0;
	s0 =	simm.s32 $0x40;
	v4 =	vmov s18  }
.LBB2_16:
0x1e6: {  	p0 =	seq.s32 s0, $0x17FC0;
	v5 =	vld [tilespmem:s1+$0x0];
	_ =	sdelay $0x4  }
0x1e7: {  	v6 =	vshrl.u32 v5, $0x10  }
0x1e8: {  	vm5 =	vgt.s32 v5, $0xFFFFFFFF;
	vm6 =	veq.s32 v6, v4  }
0x1e9: {  	v5 =	vshrl.u32 v5, $0x8;
	vm5 =	vmand vm5, vm6  }
0x1ea: {  	v5 =	vand.u32 $0xFF, v5  }
.Ltmp9:
0x1eb: {  	(pc) =	sbr.rel @!p0 .LBB2_16-.Ltmp9, $2  }
0x1ec: {  	_ =	sdelay $0x2  }
0x1ed: {  	s1 =	sshra.s32 s0, $0x2;
	s0 =	sadd.s32 $0x40, s0;
	[tilespmem:v5+s12+$0x0] =	vst.idx.add.s32.msk vm5, v2  }
0x1ee: {  	v5 =	vld [tilespmem:s1+$0x0];
	_ =	sdelay $0x4  }
0x1ef: {  	v6 =	vshrl.u32 v5, $0x10  }
0x1f0: {  	vm5 =	vgt.s32 v5, $0xFFFFFFFF;
	vm6 =	veq.s32 v6, v4  }
0x1f1: {  	v4 =	vshrl.u32 v5, $0x8;
	vm5 =	vmand vm5, vm6  }
0x1f2: {  	v4 =	vand.u32 $0xFF, v4;
	_ =	sdelay $0x4  }
0x1f3: {  	s0 =	simm.s32 $0x6170;
	[tilespmem:v4+s12+$0x0] =	vst.idx.add.s32.msk vm5, v2  }
0x1f4: {  	v5 =	vld [tilespmem:s0+$0x0];
	_ =	sdelay $0x3  }
0x1f5: {  	s21 =	simm.s32 $0x6160  }
0x1f6: {  	v7 =	vld [tilespmem:s21+$0x0];
	(xrf0) =	vadd.scan.msk.s32 $0xffff, v5;
	_ =	sdelay $0x4  }
0x1f7: {  	s22 =	simm.s32 $0x6150;
	(xrf0) =	vadd.scan.msk.s32 $0xffff, v7  }
0x1f8: {  	v10 =	vld [tilespmem:s22+$0x0];
	v8, _, _ =	vpop (xrf0)  }
0x1f9: {  	(v2sf) =	vpush v8, $0xF;
	_ =	sdelay $0x3  }
0x1fa: {  	(xrf0) =	vadd.scan.msk.s32 $0xffff, v10;
	v11, _, _ =	vpop (xrf0)  }
0x1fb: {  	(v2sf) =	vpush v11, $0xF;
	_ =	sdelay $0x4  }
0x1fc: {  	s23 =	simm.s32 $0x6140;
	v12, _, _ =	vpop (xrf0)  }
0x1fd: {  	v6 =	vld [tilespmem:s23+$0x0];
	(v2sf) =	vpush v12, $0xF;
	_ =	sdelay $0x3  }
0x1fe: {  	s24 =	spop (v2sf)  }
0x1ff: {  	s16 =	ssub.s32 s17, s19;
	p0 =	por $0x0, $0x0;
	(xrf0) =	vadd.scan.msk.s32 $0xffff, v6;
	s1 =	sadd.s32 $0x0, s24  }
0x200: {  	p1 =	por !p0, !p0;
	p2 =	sge.s32 s1, s16  }
0x201: {  	p1 =	por !p2, !p1  }
0x202: {  	s17 =	simm.s32 $0x0;
	v8 =	vsub.s32 s1, v8;
	p1 =	por !p1, !p1  }
0x203: {  	vm7 =	vmmov vm4;
	v4 =	vmov s16;
	s25 =	spop (v2sf);
	v5 =	vadd.s32 v5, v8;
	s1 =	smov.u32 @p1 s17  }
0x204: {  	s2 =	simm.s32 $0x6130;
	vm8 =	vmmov vm4;
	vm5 =	vlt.s32 v8, v4;
	p0 =	por p0, p2;
	vm6 =	vge.s32 v5, v4;
	s0 =	sadd.s32 s1, s25  }
0x205: {  	v9, _, _ =	vpop (xrf0);
	v5 =	vld [tilespmem:s2+$0x0];
	p2 =	por !p0, !p0;
	vm5 =	vmand vm5, vm6;
	vm7 =	vmneg @p1 vm7;
	v11 =	vsub.s32 s0, v11;
	p3 =	sge.s32 s0, s16  }
0x206: {  	(v2sf) =	vpush v9, $0xF;
	vm5 =	vmand vm7, vm5;
	p2 =	por !p3, !p2;
	v7 =	vadd.s32 v7, v11  }
0x207: {  	vm7 =	vlt.s32 v11, v4;
	vm6 =	vge.s32 v7, v4;
	v7 =	vnsel vm5, $0x0, v3;
	p2 =	por !p2, !p2  }
0x208: {  	v8 =	vnsel vm5, $0x0, v8;
	(xrf0) =	vadd.scan.msk.s32 $0xffff, v7;
	vm5 =	vmand vm7, vm6;
	vm8 =	vmneg @p2 vm8  }
0x209: {  	s26 =	spop (v2sf);
	s0 =	smov.u32 @p2 s1;
	(xrf0) =	vadd.scan.msk.s32 $0xffff, v8;
	vm5 =	vmand vm8, vm5  }
0x20a: {  	s1 =	sadd.s32 s0, s26;
	(xrf0) =	vadd.scan.msk.s32 $0xffff, v5;
	v7 =	vnsel vm5, $0x0, v3  }
0x20b: {  	v11 =	vnsel vm5, $0x0, v11;
	(xrf0) =	vadd.scan.msk.s32 $0xffff, v7;
	v7 =	vsub.s32 s1, v12  }
0x20c: {  	v10 =	vadd.s32 v10, v7;
	_ =	sdelay $0x1  }
0x20d: {  	(xrf0) =	vadd.scan.msk.s32 $0xffff, v11;
	v11, _, _ =	vpop (xrf0)  }
0x20e: {  	vm6 =	vge.s32 v10, v4;
	v10, _, _ =	vpop (xrf0);
	(v2sf) =	vpush v11, $0xF  }
0x20f: {  	(v2sf) =	vpush v10, $0xF  }
0x210: {  	s31 =	simm.s32 $0x6120;
	p3 =	por p0, p3  }
0x211: {  	p0 =	por !p3, !p3;
	v8 =	vld [tilespmem:s31+$0x0];
	p4 =	sge.s32 s1, s16;
	v10, _, _ =	vpop (xrf0)  }
0x212: {  	s20 =	simm.s32 $0xF0;
	s30 =	simm.s32 $0xE0;
	p0 =	por !p4, !p0;
	(v2sf) =	vpush v10, $0xF;
	v11, _, _ =	vpop (xrf0)  }
0x213: {  	s29 =	simm.s32 $0xD0;
	s28 =	simm.s32 $0xC0;
	vm7 =	vmmov vm4;
	vm5 =	vlt.s32 v7, v4;
	p0 =	por !p0, !p0;
	(v2sf) =	vpush v11, $0xF;
	v11, _, _ =	vpop (xrf0)  }
0x214: {  	s19 =	simm.s32 $0x0;
	s23 =	simm.s32 $0x80;
	s21 =	simm.s32 $0x70;
	vm7 =	vmneg @p0 vm7;
	vm5 =	vmand vm5, vm6;
	(v2sf) =	vpush v11, $0xF  }
0x215: {  	s22 =	simm.s32 $0x60;
	s24 =	simm.s32 $0x90;
	s3 =	spop (v2sf);
	vm5 =	vmand vm7, vm5  }
0x216: {  	s2 =	simm.s32 $0x6110;
	p1 =	por p1, p1;
	s25 =	simm.s32 $0xA0;
	(xrf0) =	vadd.scan.msk.s32 $0xffff, v8;
	v63 =	vnsel vm5, $0x0, v3  }
0x217: {  	p1 =	por p1, p1;
	p2 =	por p2, p2;
	s26 =	simm.s32 $0xB0;
	v13 =	vnsel vm5, $0x0, v7;
	(xrf0) =	vadd.scan.msk.s32 $0xffff, v63  }
0x218: {  	p3 =	por p3, p4;
	s1 =	smov.u32 @p0 s0;
	s0 =	simm.s32 $0x50;
	v7 =	vld [tilespmem:s2+$0x0];
	(xrf0) =	vadd.scan.msk.s32 $0xffff, v13  }
.LBB2_18:
0x219: {  	s4 =	smov.u32 s1;
	p4 =	sne.s32 s0, $0x0;
	s1 =	sadd.s32 s1, s3  }
0x21a: {  	s5 =	smov.u32 s21;
	s21 =	smov.u32 s22;
	s22 =	smov.u32 s0  }
0x21b: {  	p5 =	por p1, p1;
	p1 =	por p2, p2;
	p2 =	por p0, p0;
	v11 =	vsub.s32 s1, v9  }
0x21c: {  	p0 =	por !p3, !p3;
	p6 =	sge.s32 s1, s16;
	v9 =	vmov v10;
	v10, _, _ =	vpop (xrf0);
	v12 =	vadd.s32 v6, v11  }
0x21d: {  	p0 =	por !p6, !p0;
	vm5 =	vlt.s32 v11, v4;
	p3 =	por p3, p6;
	v6 =	vmovc v5;
	v5 =	vmovc v8;
	(v2sf) =	vpush v10, $0xF;
	s3 =	spop (v2sf);
	vm6 =	vge.s32 v12, v4  }
0x21e: {  	p0 =	por !p0, !p0;
	s3 =	sadd.s32 s20, s3;
	s6 =	spop (v2sf);
	vm5 =	vmand vm5, vm6;
	vm6 =	vmmov vm4  }
.Ltmp10:
0x21f: {  	s1 =	smov.u32 @p0 s4;
	(xrf0) =	vadd.scan.msk.s32 $0xffff, v7;
	vm6 =	vmneg @p0 vm6;
	v8, _, _ =	vpop (xrf0);
	s17 =	smov.u32 @p5 s3;
	(pc) =	sbr.rel @p4 .LBB2_18-.Ltmp10, $4  }
0x220: {  	s20 =	smov.u32 s30;
	s30 =	smov.u32 s29;
	s19 =	smov.u32 @p5 s6;
	vm5 =	vmand vm6, vm5;
	(v2sf) =	vpush v8, $0xF;
	v12, _, _ =	vpop (xrf0);
	v8 =	vmov v7  }
0x221: {  	s29 =	smov.u32 s28;
	s28 =	smov.u32 s26;
	s26 =	smov.u32 s25;
	v7 =	vnsel vm5, $0x0, v3;
	v11 =	vnsel vm5, $0x0, v11;
	(v2sf) =	vpush v12, $0xF  }
0x222: {  	s2 =	sadd.s32 $0xFFFFFFF0, s2;
	s25 =	smov.u32 s24;
	s24 =	smov.u32 s23;
	(xrf0) =	vadd.scan.msk.s32 $0xffff, v7  }
0x223: {  	s0 =	sadd.s32 $0xFFFFFFF0, s0;
	s23 =	smov.u32 s5;
	v7 =	vld [tilespmem:s2+$0x0];
	s3 =	spop (v2sf);
	(xrf0) =	vadd.scan.msk.s32 $0xffff, v11  }
0x224: {  	_ = 	snop  }
0x225: {  	v11, _, _ =	vpop (xrf0)  }
0x226: {  	(v2sf) =	vpush v11, $0xF;
	_ =	sdelay $0x2  }
0x227: {  	s3 =	sadd.s32 s1, s3  }
0x228: {  	p5 =	por !p3, !p3;
	p4 =	sge.s32 s3, s16  }
0x229: {  	s0 =	spop (v2sf);
	p5 =	por !p4, !p5  }
0x22a: {  	s31 =	spop (v2sf);
	p5 =	por !p5, !p5  }
0x22b: {  	v9 =	vsub.s32 s3, v9;
	s3 =	smov.u32 @p5 s1;
	s8 =	spop (v2sf)  }
0x22c: {  	s6 =	sadd.s32 $0xFFFFFFF0, s2;
	v6 =	vadd.s32 v6, v9;
	p3 =	por p3, p4;
	s2 =	sadd.s32 s3, s8  }
0x22d: {  	vm7 =	vmmov vm4;
	vm5 =	vlt.s32 v9, v4;
	vm6 =	vge.s32 v6, v4;
	p4 =	por !p3, !p3;
	s4 =	simm.s32 @!p5 $0x0;
	p6 =	sge.s32 s2, s16  }
0x22e: {  	v6 =	vld [tilespmem:s6+$0x0];
	(xrf0) =	vadd.scan.msk.s32 $0xffff, v7;
	vm5 =	vmand vm5, vm6;
	vm7 =	vmneg @p5 vm7;
	s4 =	simm.s32 @p5 $0x1;
	p5 =	por !p6, !p4  }
0x22f: {  	vm5 =	vmand vm7, vm5;
	v10 =	vsub.s32 s2, v10;
	p5 =	por !p5, !p5  }
0x230: {  	v12 =	vnsel vm5, $0x0, v3;
	v5 =	vadd.s32 v5, v10;
	s1 =	simm.s32 @!p5 $0x0  }
0x231: {  	[smem:$0x7F2] =	sst s4;
	v9 =	vnsel vm5, $0x0, v9;
	(xrf0) =	vadd.scan.msk.s32 $0xffff, v12;
	s7 =	spop (v2sf);
	s1 =	simm.s32 @p5 $0x1  }
0x232: {  	v45, _, _ =	vpop (xrf0);
	vm7 =	vmmov vm4;
	s4 =	sadd.s32 $0xFFFFFFF0, s6;
	(xrf0) =	vadd.scan.msk.s32 $0xffff, v9;
	vm5 =	vlt.s32 v10, v4;
	vm6 =	vge.s32 v5, v4;
	[smem:$0x7F3] =	sst s1;
	s1 =	spop (v2sf)  }
0x233: {  	(v2sf) =	vpush v45, $0xF;
	v46 =	vld [tilespmem:s4+$0x0];
	vm5 =	vmand vm5, vm6;
	vm7 =	vmneg @p5 vm7;
	s2 =	smov.u32 @p5 s3;
	v5, _, _ =	vpop (xrf0);
	(xrf0) =	vadd.scan.msk.s32 $0xffff, v6;
	s9 =	spop (v2sf)  }
0x234: {  	p3 =	por p3, p6;
	vm5 =	vmand vm7, vm5;
	(v2sf) =	vpush v5, $0xF;
	v5, _, _ =	vpop (xrf0);
	s3 =	sadd.s32 s2, s9  }
0x235: {  	p4 =	por !p3, !p3;
	v47 =	vnsel vm5, $0x0, v3;
	(v2sf) =	vpush v5, $0xF;
	v11 =	vsub.s32 s3, v11;
	p6 =	sge.s32 s3, s16  }
0x236: {  	v10 =	vnsel vm5, $0x0, v10;
	(xrf0) =	vadd.scan.msk.s32 $0xffff, v47;
	p5 =	por !p6, !p4;
	v8 =	vadd.s32 v8, v11  }
0x237: {  	s4 =	sadd.s32 $0xFFFFFFF0, s4;
	vm7 =	vmmov vm4;
	v48, _, _ =	vpop (xrf0);
	(xrf0) =	vadd.scan.msk.s32 $0xffff, v10;
	vm5 =	vlt.s32 v11, v4;
	p5 =	por !p5, !p5;
	vm6 =	vge.s32 v8, v4  }
0x238: {  	v50 =	vld [tilespmem:s4+$0x0];
	(v2sf) =	vpush v48, $0xF;
	v49, _, _ =	vpop (xrf0);
	(xrf0) =	vadd.scan.msk.s32 $0xffff, v46;
	vm5 =	vmand vm5, vm6;
	vm7 =	vmneg @p5 vm7  }
0x239: {  	(v2sf) =	vpush v49, $0xF;
	v51, _, _ =	vpop (xrf0);
	vm5 =	vmand vm7, vm5  }
0x23a: {  	(v2sf) =	vpush v51, $0xF;
	v52 =	vnsel vm5, $0x0, v3  }
0x23b: {  	v11 =	vnsel vm5, $0x0, v11;
	(xrf0) =	vadd.scan.msk.s32 $0xffff, v52  }
0x23c: {  	v53, _, _ =	vpop (xrf0);
	(xrf0) =	vadd.scan.msk.s32 $0xffff, v11  }
0x23d: {  	(v2sf) =	vpush v53, $0xF;
	v54, _, _ =	vpop (xrf0);
	(xrf0) =	vadd.scan.msk.s32 $0xffff, v50  }
0x23e: {  	(v2sf) =	vpush v54, $0xF;
	v55, _, _ =	vpop (xrf0)  }
0x23f: {  	(v2sf) =	vpush v55, $0xF;
	_ =	sdelay $0x1  }
0x240: {  	v56, _, _ =	vpop (xrf0)  }
0x241: {  	s9 =	spop (v2sf);
	(v2sf) =	vpush v56, $0xF;
	v57, _, _ =	vpop (xrf0)  }
0x242: {  	s11 =	spop (v2sf);
	(v2sf) =	vpush v57, $0xF;
	v58, _, _ =	vpop (xrf0)  }
0x243: {  	s3 =	smov.u32 @p5 s2;
	s10 =	spop (v2sf);
	(v2sf) =	vpush v58, $0xF  }
0x244: {  	p3 =	por p3, p6;
	s5 =	simm.s32 @!p5 $0x0;
	s4 =	sadd.s32 s3, s10  }
0x245: {  	p4 =	por !p3, !p3;
	s5 =	simm.s32 @p5 $0x1;
	p6 =	sge.s32 s4, s16  }
0x246: {  	[smem:$0x7F4] =	sst s5;
	s5 =	spop (v2sf);
	p4 =	por !p6, !p4  }
0x247: {  	s2 =	spop (v2sf);
	p4 =	por !p4, !p4  }
0x248: {  	v5 =	vsub.s32 s4, v5;
	s4 =	smov.u32 @p4 s3;
	s14 =	spop (v2sf)  }
0x249: {  	p3 =	por p3, p6;
	s8 =	sadd.s32 s4, s14  }
0x24a: {  	v7 =	vadd.s32 v7, v5;
	p6 =	por !p3, !p3;
	s3 =	simm.s32 @!p4 $0x0;
	p5 =	sge.s32 s8, s16  }
0x24b: {  	vm7 =	vmmov vm4;
	vm5 =	vlt.s32 v5, v4;
	vm6 =	vge.s32 v7, v4;
	s3 =	simm.s32 @p4 $0x1;
	s10 =	spop (v2sf);
	p6 =	por !p5, !p6  }
0x24c: {  	vm5 =	vmand vm5, vm6;
	vm7 =	vmneg @p4 vm7;
	[smem:$0x7F5] =	sst s3;
	s3 =	spop (v2sf);
	p6 =	por !p6, !p6  }
0x24d: {  	vm5 =	vmand vm7, vm5;
	v7 =	vsub.s32 s8, v51;
	s6 =	spop (v2sf);
	s8 =	smov.u32 @p6 s4  }
0x24e: {  	vm7 =	vmmov vm4;
	v59 =	vnsel vm5, $0x0, v3;
	p5 =	por p3, p5;
	v6 =	vadd.s32 v6, v7;
	s14 =	sadd.s32 s8, s6  }
0x24f: {  	v5 =	vnsel vm5, $0x0, v5;
	(xrf0) =	vadd.scan.msk.s32 $0xffff, v59;
	vm5 =	vlt.s32 v7, v4;
	p4 =	por !p5, !p5;
	vm6 =	vge.s32 v6, v4;
	p3 =	sge.s32 s14, s16  }
0x250: {  	vm5 =	vmand vm5, vm6;
	vm7 =	vmneg @p6 vm7;
	p4 =	por !p3, !p4;
	s4 =	spop (v2sf)  }
0x251: {  	(xrf0) =	vadd.scan.msk.s32 $0xffff, v5;
	vm5 =	vmand vm7, vm5;
	v5 =	vsub.s32 s14, v55;
	p4 =	por !p4, !p4;
	s6 =	spop (v2sf)  }
0x252: {  	v6 =	vnsel vm5, $0x0, v3;
	v60 =	vadd.s32 v46, v5;
	s14 =	smov.u32 @p4 s8;
	s8 =	spop (v2sf)  }
0x253: {  	v7 =	vnsel vm5, $0x0, v7;
	vm6 =	vlt.s32 v5, v4;
	vm7 =	vge.s32 v60, v4;
	s8 =	sadd.s32 s14, s8  }
0x254: {  	p3 =	por p5, p3;
	vm5 =	vmand vm6, vm7;
	vm6 =	vmmov vm4;
	v61 =	vsub.s32 s8, v58  }
0x255: {  	p3 =	por !p3, !p3;
	v63, _, _ =	vpop (xrf0);
	vm6 =	vmneg @p4 vm6;
	p5 =	sge.s32 s8, s16;
	v62 =	vadd.s32 v50, v61  }
0x256: {  	(v2sf) =	vpush v63, $0xF;
	p3 =	por !p5, !p3;
	vm7 =	vlt.s32 v61, v4;
	vm8 =	vge.s32 v62, v4  }
0x257: {  	(xrf0) =	vadd.scan.msk.s32 $0xffff, v6;
	vm5 =	vmand vm6, vm5;
	v4, _, _ =	vpop (xrf0);
	p5 =	por !p3, !p3;
	vm6 =	vmand vm7, vm8;
	vm7 =	vmmov vm4  }
0x258: {  	(xrf0) =	vadd.scan.msk.s32 $0xffff, v7;
	(v2sf) =	vpush v4, $0xF;
	v4 =	vnsel vm5, $0x0, v3;
	vm7 =	vmneg @p5 vm7  }
0x259: {  	v5 =	vnsel vm5, $0x0, v5;
	(xrf0) =	vadd.scan.msk.s32 $0xffff, v4;
	vm5 =	vmand vm7, vm6  }
0x25a: {  	(xrf0) =	vadd.scan.msk.s32 $0xffff, v5;
	v4 =	vnsel vm5, $0x0, v3  }
0x25b: {  	(xrf0) =	vadd.scan.msk.s32 $0xffff, v4  }
0x25c: {  	p1 =	por p1, p1;
	p2 =	por p2, p2;
	p0 =	por p0, p0;
	v5 =	vnsel vm5, $0x0, v61  }
0x25d: {  	s0 =	sadd.s32 s20, s0;
	p2 =	por p2, p2;
	p0 =	por p0, p0;
	v4, _, _ =	vpop (xrf0)  }
0x25e: {  	s17 =	smov.u32 @p1 s0;
	s19 =	smov.u32 @p1 s31;
	s0 =	sadd.s32 s30, s7;
	(xrf0) =	vadd.scan.msk.s32 $0xffff, v5;
	(v2sf) =	vpush v4, $0xF;
	v4, _, _ =	vpop (xrf0)  }
0x25f: {  	p0 =	por p0, p0;
	s17 =	smov.u32 @p2 s0;
	s8 =	sld [smem:$0x7F2];
	v5, _, _ =	vpop (xrf0);
	(v2sf) =	vpush v4, $0xF  }
0x260: {  	s19 =	smov.u32 @p2 s1;
	s0 =	sadd.s32 s29, s9;
	s9 =	sld [smem:$0x7F3];
	(v2sf) =	vpush v5, $0xF;
	v4, _, _ =	vpop (xrf0)  }
0x261: {  	s17 =	smov.u32 @p0 s0;
	s19 =	smov.u32 @p0 s11;
	(v2sf) =	vpush v4, $0xF;
	v4, _, _ =	vpop (xrf0)  }
0x262: {  	s0 =	sadd.s32 s28, s5;
	s20 =	sld [smem:$0x7F5];
	p2 =	seq.s32 s8, $0x1;
	(v2sf) =	vpush v4, $0xF  }
0x263: {  	s14 =	sld [smem:$0x7F4];
	p3 =	seq.s32 s9, $0x1;
	p1 =	por p2, p2  }
0x264: {  	p6 =	por p6, p6;
	p0 =	por p3, p3;
	p1 =	por p1, p1;
	v4, _, _ =	vpop (xrf0)  }
0x265: {  	p3 =	seq.s32 s20, $0x1;
	p0 =	por p0, p0;
	p1 =	por p1, p1;
	(v2sf) =	vpush v4, $0xF  }
0x266: {  	[tilespmem:$0x6080] =	vst v1;
	p2 =	seq.s32 s14, $0x1;
	p0 =	por p0, p0;
	s17 =	smov.u32 @p1 s0  }
0x267: {  	[tilespmem:$0x6090] =	vst v1;
	s19 =	smov.u32 @p1 s2;
	p1 =	por p2, p2;
	s2 =	sadd.s32 s26, s10  }
0x268: {  	[tilespmem:$0x60A0] =	vst v1;
	p2 =	por p3, p3;
	p1 =	por p1, p1;
	s17 =	smov.u32 @p0 s2  }
0x269: {  	[tilespmem:$0x60B0] =	vst v1;
	s19 =	smov.u32 @p0 s3;
	p3 =	por p2, p2;
	s2 =	sadd.s32 s25, s4  }
0x26a: {  	[tilespmem:$0x60C0] =	vst v1;
	p2 =	por p6, p6;
	p6 =	por p5, p5;
	p0 =	por p1, p1  }
0x26b: {  	[tilespmem:$0x60D0] =	vst v1;
	p1 =	por p3, p3;
	p3 =	por p4, p4;
	s11 =	spop (v2sf)  }
0x26c: {  	[tilespmem:$0x60E0] =	vst v1;
	s17 =	smov.u32 @p0 s2;
	s19 =	smov.u32 @p0 s6;
	s1 =	spop (v2sf)  }
0x26d: {  	[tilespmem:$0x60F0] =	vst v1;
	p0 =	por p2, p2;
	p4 =	por p3, p3;
	s28 =	spop (v2sf)  }
0x26e: {  	[tilespmem:$0x6100] =	vst v1;
	s0 =	sadd.s32 s24, s11;
	s19 =	smov.u32 @p1 s1;
	s1 =	spop (v2sf)  }
0x26f: {  	[tilespmem:$0x6110] =	vst v1;
	s17 =	smov.u32 @p1 s0;
	s0 =	sadd.s32 s23, s28;
	s29 =	spop (v2sf)  }
0x270: {  	[tilespmem:$0x6120] =	vst v1;
	p2 =	por p6, p6;
	s17 =	smov.u32 @p0 s0;
	s0 =	spop (v2sf)  }
0x271: {  	[tilespmem:$0x6130] =	vst v1;
	p1 =	por p4, p4;
	s2 =	sadd.s32 s21, s29;
	s30 =	spop (v2sf)  }
0x272: {  	[tilespmem:$0x6140] =	vst v1;
	p2 =	por p2, p2;
	s17 =	smov.u32 @p1 s2;
	s2 =	sadd.s32 s22, s30  }
0x273: {  	s31 =	sshll.u32 s18, $0x8;
	[tilespmem:$0x6150] =	vst v1;
	s19 =	smov.u32 @p0 s1;
	s17 =	smov.u32 @p2 s2  }
0x274: {  	[tilespmem:$0x6160] =	vst v1;
	s19 =	smov.u32 @p1 s0;
	s0 =	spop (v2sf);
	s17 =	sadd.s32 s31, s17  }
0x275: {  	[tilespmem:$0x6170] =	vst v1;
	s1 =	simm.s32 $0x0;
	s19 =	smov.u32 @p2 s0;
	s0 =	simm.s32 $0x40;
	v4 =	vmov s17  }
.LBB2_20:
0x276: {  	p0 =	seq.s32 s0, $0x17FC0;
	v5 =	vld [tilespmem:s1+$0x0];
	_ =	sdelay $0x4  }
0x277: {  	v6 =	vshrl.u32 v5, $0x8  }
0x278: {  	vm5 =	vgt.s32 v5, $0xFFFFFFFF;
	vm6 =	veq.s32 v6, v4  }
0x279: {  	vm5 =	vmand vm5, vm6  }
0x27a: {  	v5 =	vand.u32 $0xFF, v5  }
.Ltmp11:
0x27b: {  	(pc) =	sbr.rel @!p0 .LBB2_20-.Ltmp11, $2  }
0x27c: {  	_ =	sdelay $0x2  }
0x27d: {  	s1 =	sshra.s32 s0, $0x2;
	s0 =	sadd.s32 $0x40, s0;
	[tilespmem:v5+s12+$0x0] =	vst.idx.add.s32.msk vm5, v2  }
0x27e: {  	v5 =	vld [tilespmem:s1+$0x0];
	_ =	sdelay $0x4  }
0x27f: {  	v6 =	vshrl.u32 v5, $0x8  }
0x280: {  	vm5 =	vgt.s32 v5, $0xFFFFFFFF;
	vm6 =	veq.s32 v6, v4  }
0x281: {  	vm5 =	vmand vm5, vm6  }
0x282: {  	v4 =	vand.u32 $0xFF, v5;
	_ =	sdelay $0x4  }
0x283: {  	s0 =	simm.s32 $0x6170;
	[tilespmem:v4+s12+$0x0] =	vst.idx.add.s32.msk vm5, v2  }
0x284: {  	v5 =	vld [tilespmem:s0+$0x0];
	_ =	sdelay $0x3  }
0x285: {  	s20 =	simm.s32 $0x6160  }
0x286: {  	v8 =	vld [tilespmem:s20+$0x0];
	(xrf0) =	vadd.scan.msk.s32 $0xffff, v5;
	_ =	sdelay $0x4  }
0x287: {  	s21 =	simm.s32 $0x6150;
	(xrf0) =	vadd.scan.msk.s32 $0xffff, v8  }
0x288: {  	v9 =	vld [tilespmem:s21+$0x0];
	v6, _, _ =	vpop (xrf0)  }
0x289: {  	(v2sf) =	vpush v6, $0xF;
	_ =	sdelay $0x3  }
0x28a: {  	(xrf0) =	vadd.scan.msk.s32 $0xffff, v9;
	v10, _, _ =	vpop (xrf0)  }
0x28b: {  	(v2sf) =	vpush v10, $0xF;
	_ =	sdelay $0x2  }
0x28c: {  	s22 =	simm.s32 $0x6140  }
0x28d: {  	v7 =	vld [tilespmem:s22+$0x0]  }
0x28e: {  	v11, _, _ =	vpop (xrf0)  }
0x28f: {  	(v2sf) =	vpush v11, $0xF;
	_ =	sdelay $0x2  }
0x290: {  	(xrf0) =	vadd.scan.msk.s32 $0xffff, v7  }
0x291: {  	s23 =	spop (v2sf)  }
0x292: {  	s19 =	ssub.s32 s16, s19;
	p0 =	por $0x0, $0x0;
	s0 =	sadd.s32 $0x0, s23  }
0x293: {  	p1 =	por !p0, !p0;
	p2 =	sge.s32 s0, s19  }
0x294: {  	p1 =	por !p2, !p1  }
0x295: {  	s16 =	simm.s32 $0x0;
	p1 =	por !p1, !p1  }
0x296: {  	vm7 =	vmmov vm4;
	vm8 =	vmmov vm4;
	v12, _, _ =	vpop (xrf0);
	s24 =	spop (v2sf);
	v6 =	vsub.s32 s0, v6;
	s0 =	smov.u32 @p1 s16  }
0x297: {  	s2 =	simm.s32 $0x6130;
	v4 =	vmov s19;
	(v2sf) =	vpush v12, $0xF;
	v5 =	vadd.s32 v5, v6;
	p0 =	por p0, p2;
	s3 =	sadd.s32 s0, s24  }
0x298: {  	vm5 =	vlt.s32 v6, v4;
	v6 =	vld [tilespmem:s2+$0x0];
	vm6 =	vge.s32 v5, v4;
	p3 =	por !p0, !p0;
	v5 =	vsub.s32 s3, v10;
	p5 =	sge.s32 s3, s19  }
0x299: {  	vm5 =	vmand vm5, vm6;
	vm7 =	vmneg @p1 vm7;
	p3 =	por !p5, !p3;
	v8 =	vadd.s32 v8, v5  }
0x29a: {  	s25 =	simm.s32 $0x6120;
	vm5 =	vmand vm7, vm5;
	vm6 =	vlt.s32 v5, v4;
	p4 =	por !p3, !p3;
	vm7 =	vge.s32 v8, v4  }
0x29b: {  	v5 =	vld [tilespmem:s25+$0x0];
	v8 =	vnsel vm5, $0x0, v3;
	vm6 =	vmand vm6, vm7;
	vm8 =	vmneg @p4 vm8  }
0x29c: {  	s26 =	spop (v2sf);
	(xrf0) =	vadd.scan.msk.s32 $0xffff, v8;
	s3 =	smov.u32 @p4 s0;
	vm5 =	vmand vm8, vm6  }
0x29d: {  	(xrf0) =	vadd.scan.msk.s32 $0xffff, v6;
	s1 =	sadd.s32 s3, s26;
	v8 =	vnsel vm5, $0x0, v3  }
0x29e: {  	(xrf0) =	vadd.scan.msk.s32 $0xffff, v8;
	v8 =	vsub.s32 s1, v11  }
0x29f: {  	v9 =	vadd.s32 v9, v8  }
0x2a0: {  	(xrf0) =	vadd.scan.msk.s32 $0xffff, v5;
	_ =	sdelay $0x1  }
0x2a1: {  	vm6 =	vge.s32 v9, v4;
	v9, _, _ =	vpop (xrf0)  }
0x2a2: {  	s18 =	simm.s32 $0xF0;
	s30 =	simm.s32 $0xE0;
	p2 =	por p0, p5;
	(v2sf) =	vpush v9, $0xF  }
0x2a3: {  	s29 =	simm.s32 $0xD0;
	p0 =	por !p2, !p2;
	p6 =	sge.s32 s1, s19;
	v10, _, _ =	vpop (xrf0)  }
0x2a4: {  	s28 =	simm.s32 $0xC0;
	s0 =	simm.s32 $0x6110;
	p0 =	por !p6, !p0;
	(v2sf) =	vpush v10, $0xF;
	v9, _, _ =	vpop (xrf0)  }
0x2a5: {  	s22 =	simm.s32 $0x70;
	s20 =	simm.s32 $0x60;
	vm7 =	vmmov vm4;
	vm5 =	vlt.s32 v8, v4;
	p0 =	por !p0, !p0;
	v8 =	vld [tilespmem:s0+$0x0];
	(v2sf) =	vpush v9, $0xF;
	v9, _, _ =	vpop (xrf0)  }
0x2a6: {  	s21 =	simm.s32 $0x50;
	s23 =	simm.s32 $0xA0;
	s31 =	spop (v2sf);
	vm7 =	vmneg @p0 vm7;
	vm5 =	vmand vm5, vm6;
	(v2sf) =	vpush v9, $0xF  }
0x2a7: {  	p1 =	por p1, p1;
	s24 =	simm.s32 $0x90;
	s25 =	simm.s32 $0x80;
	vm5 =	vmand vm7, vm5  }
0x2a8: {  	s26 =	simm.s32 $0xB0;
	p3 =	por p2, p6;
	s1 =	smov.u32 @p0 s3;
	v11 =	vnsel vm5, $0x0, v3  }
0x2a9: {  	p2 =	por p1, p1;
	p1 =	por p4, p4;
	s2 =	sadd.s32 s1, s31;
	(xrf0) =	vadd.scan.msk.s32 $0xffff, v11  }
0x2aa: {  	p6 =	por !p3, !p3;
	s3 =	simm.s32 $0x40;
	p5 =	sge.s32 s2, s19;
	v11 =	vsub.s32 s2, v12;
	(xrf0) =	vadd.scan.msk.s32 $0xffff, v8  }
.LBB2_22:
0x2ab: {  	s4 =	smov.u32 s1;
	p4 =	sne.s32 s3, $0x0  }
0x2ac: {  	p6 =	por !p5, !p6;
	p3 =	por p3, p5;
	s5 =	smov.u32 s23  }
0x2ad: {  	vm5 =	vlt.s32 v11, v4;
	v11 =	vadd.s32 v7, v11;
	s23 =	smov.u32 s24;
	s24 =	smov.u32 s25;
	p5 =	por p2, p2  }
0x2ae: {  	v7 =	vmovc v6;
	v6 =	vmov v5;
	v5 =	vmov v8;
	p2 =	por p1, p1;
	p1 =	por p0, p0;
	s0 =	sadd.s32 $0xFFFFFFF0, s0;
	vm6 =	vge.s32 v11, v4  }
0x2af: {  	s25 =	smov.u32 s22;
	s1 =	smov.u32 s2;
	p0 =	por !p6, !p6;
	vm5 =	vmand vm5, vm6;
	vm6 =	vmmov vm4  }
0x2b0: {  	s22 =	smov.u32 s20;
	s20 =	smov.u32 s21;
	s1 =	smov.u32 @p0 s4;
	v8 =	vld [tilespmem:s0+$0x0];
	vm6 =	vmneg @p0 vm6  }
.Ltmp12:
0x2b1: {  	s21 =	smov.u32 s3;
	vm5 =	vmand vm6, vm5;
	v11, _, _ =	vpop (xrf0);
	s2 =	spop (v2sf);
	(pc) =	sbr.rel @p4 .LBB2_22-.Ltmp12, $4  }
0x2b2: {  	v12 =	vnsel vm5, $0x0, v3;
	(v2sf) =	vpush v11, $0xF;
	s2 =	sadd.s32 s18, s2;
	s18 =	smov.u32 s30;
	s30 =	smov.u32 s29  }
0x2b3: {  	s29 =	smov.u32 s28;
	v13, _, _ =	vpop (xrf0);
	s4 =	spop (v2sf);
	(xrf0) =	vadd.scan.msk.s32 $0xffff, v12;
	s16 =	smov.u32 @p5 s2  }
0x2b4: {  	s28 =	smov.u32 s26;
	s26 =	smov.u32 s5;
	(v2sf) =	vpush v13, $0xF;
	s2 =	sadd.s32 s1, s4  }
0x2b5: {  	s3 =	sadd.s32 $0xFFFFFFF0, s3;
	p6 =	por !p3, !p3;
	(xrf0) =	vadd.scan.msk.s32 $0xffff, v8;
	v11 =	vsub.s32 s2, v10;
	p5 =	sge.s32 s2, s19;
	v10 =	vmov v9;
	v9 =	vmov v13  }
0x2b6: {  	_ =	sdelay $0x2  }
0x2b7: {  	p4 =	por !p5, !p6  }
0x2b8: {  	p4 =	por !p4, !p4;
	v12, _, _ =	vpop (xrf0)  }
0x2b9: {  	s3 =	sadd.s32 $0xFFFFFFF0, s0;
	s0 =	simm.s32 @!p4 $0x0;
	(v2sf) =	vpush v12, $0xF;
	v50, _, _ =	vpop (xrf0)  }
0x2ba: {  	v7 =	vadd.s32 v7, v11;
	s0 =	simm.s32 @p4 $0x1;
	(v2sf) =	vpush v50, $0xF  }
0x2bb: {  	vm5 =	vlt.s32 v11, v4;
	vm7 =	vmmov vm4;
	vm6 =	vge.s32 v7, v4;
	v7 =	vld [tilespmem:s3+$0x0];
	[smem:$0x7ED] =	sst s0;
	s0 =	spop (v2sf)  }
0x2bc: {  	vm5 =	vmand vm5, vm6;
	vm7 =	vmneg @p4 vm7;
	s2 =	smov.u32 @p4 s1;
	s7 =	spop (v2sf)  }
0x2bd: {  	p3 =	por p3, p5;
	vm5 =	vmand vm7, vm5;
	s4 =	sadd.s32 s2, s7  }
0x2be: {  	p5 =	por !p3, !p3;
	v51 =	vnsel vm5, $0x0, v3;
	v10 =	vsub.s32 s4, v10;
	p6 =	sge.s32 s4, s19  }
0x2bf: {  	s3 =	sadd.s32 $0xFFFFFFF0, s3;
	(xrf0) =	vadd.scan.msk.s32 $0xffff, v51;
	p5 =	por !p6, !p5;
	v6 =	vadd.s32 v6, v10  }
0x2c0: {  	vm7 =	vmmov vm4;
	(xrf0) =	vadd.scan.msk.s32 $0xffff, v7;
	vm5 =	vlt.s32 v10, v4;
	p5 =	por !p5, !p5;
	vm6 =	vge.s32 v6, v4;
	v6 =	vld [tilespmem:s3+$0x0]  }
0x2c1: {  	s1 =	simm.s32 @!p5 $0x0;
	vm5 =	vmand vm5, vm6;
	vm7 =	vmneg @p5 vm7  }
0x2c2: {  	s1 =	simm.s32 @p5 $0x1;
	vm5 =	vmand vm7, vm5  }
0x2c3: {  	[smem:$0x7EE] =	sst s1;
	s1 =	spop (v2sf);
	v52 =	vnsel vm5, $0x0, v3  }
0x2c4: {  	s4 =	smov.u32 @p5 s2;
	s8 =	spop (v2sf);
	(xrf0) =	vadd.scan.msk.s32 $0xffff, v52  }
0x2c5: {  	p3 =	por p3, p6;
	v53, _, _ =	vpop (xrf0);
	s5 =	sadd.s32 s4, s8;
	(xrf0) =	vadd.scan.msk.s32 $0xffff, v6  }
0x2c6: {  	p4 =	por !p3, !p3;
	(v2sf) =	vpush v53, $0xF;
	v54, _, _ =	vpop (xrf0);
	v9 =	vsub.s32 s5, v9;
	p6 =	sge.s32 s5, s19  }
0x2c7: {  	s9 =	sadd.s32 $0xFFFFFFF0, s3;
	(v2sf) =	vpush v54, $0xF;
	p5 =	por !p6, !p4;
	v5 =	vadd.s32 v5, v9  }
0x2c8: {  	vm7 =	vmmov vm4;
	vm5 =	vlt.s32 v9, v4;
	p5 =	por !p5, !p5;
	vm6 =	vge.s32 v5, v4;
	v5 =	vld [tilespmem:s9+$0x0];
	s7 =	spop (v2sf)  }
0x2c9: {  	vm5 =	vmand vm5, vm6;
	vm7 =	vmneg @p5 vm7;
	s5 =	smov.u32 @p5 s4;
	s10 =	spop (v2sf)  }
0x2ca: {  	p3 =	por p3, p6;
	vm5 =	vmand vm7, vm5;
	v57, _, _ =	vpop (xrf0);
	s4 =	sadd.s32 s5, s10  }
0x2cb: {  	p4 =	por !p3, !p3;
	s3 =	simm.s32 @!p5 $0x0;
	v55 =	vnsel vm5, $0x0, v3;
	(v2sf) =	vpush v57, $0xF;
	v58, _, _ =	vpop (xrf0);
	v56 =	vsub.s32 s4, v50;
	p6 =	sge.s32 s4, s19  }
0x2cc: {  	s2 =	sadd.s32 $0xFFFFFFF0, s9;
	s3 =	simm.s32 @p5 $0x1;
	(xrf0) =	vadd.scan.msk.s32 $0xffff, v55;
	(v2sf) =	vpush v58, $0xF;
	p5 =	por !p6, !p4;
	v8 =	vadd.s32 v8, v56  }
0x2cd: {  	vm7 =	vmmov vm4;
	(xrf0) =	vadd.scan.msk.s32 $0xffff, v5;
	vm5 =	vlt.s32 v56, v4;
	p5 =	por !p5, !p5;
	vm6 =	vge.s32 v8, v4;
	v8 =	vld [tilespmem:s2+$0x0]  }
0x2ce: {  	vm5 =	vmand vm5, vm6;
	vm7 =	vmneg @p5 vm7  }
0x2cf: {  	vm5 =	vmand vm7, vm5  }
0x2d0: {  	v59 =	vnsel vm5, $0x0, v3  }
0x2d1: {  	(xrf0) =	vadd.scan.msk.s32 $0xffff, v59  }
0x2d2: {  	v60, _, _ =	vpop (xrf0);
	(xrf0) =	vadd.scan.msk.s32 $0xffff, v8  }
0x2d3: {  	s2 =	simm.s32 @!p5 $0x0;
	(v2sf) =	vpush v60, $0xF;
	v61, _, _ =	vpop (xrf0)  }
0x2d4: {  	s2 =	simm.s32 @p5 $0x1;
	(v2sf) =	vpush v61, $0xF  }
0x2d5: {  	[smem:$0x7F0] =	sst s2;
	s2 =	spop (v2sf)  }
0x2d6: {  	s4 =	smov.u32 @p5 s5;
	s11 =	spop (v2sf)  }
0x2d7: {  	p3 =	por p3, p6;
	s5 =	sadd.s32 s4, s11;
	v62, _, _ =	vpop (xrf0)  }
0x2d8: {  	p4 =	por !p3, !p3;
	p5 =	sge.s32 s5, s19;
	(v2sf) =	vpush v62, $0xF;
	v63, _, _ =	vpop (xrf0)  }
0x2d9: {  	p4 =	por !p5, !p4;
	(v2sf) =	vpush v63, $0xF  }
0x2da: {  	[smem:$0x7EF] =	sst s3;
	p6 =	por !p4, !p4;
	s3 =	spop (v2sf)  }
0x2db: {  	v9 =	vsub.s32 s5, v54;
	s5 =	smov.u32 @p6 s4;
	s6 =	spop (v2sf)  }
0x2dc: {  	p3 =	por p3, p5;
	s6 =	sadd.s32 s5, s6  }
0x2dd: {  	p4 =	por !p3, !p3;
	p5 =	sge.s32 s6, s19  }
0x2de: {  	s4 =	simm.s32 @!p6 $0x0;
	p4 =	por !p5, !p4  }
0x2df: {  	s4 =	simm.s32 @p6 $0x1;
	p4 =	por !p4, !p4  }
0x2e0: {  	[smem:$0x7F1] =	sst s4;
	s4 =	simm.s32 @!p4 $0x0  }
0x2e1: {  	s4 =	simm.s32 @p4 $0x1  }
0x2e2: {  	vm7 =	vmmov vm4;
	v7 =	vadd.s32 v7, v9;
	[smem:$0x7EC] =	sst s4;
	s4 =	spop (v2sf)  }
0x2e3: {  	vm5 =	vlt.s32 v9, v4;
	vm6 =	vge.s32 v7, v4;
	v10 =	vsub.s32 s6, v58;
	s6 =	smov.u32 @p4 s5;
	s14 =	spop (v2sf)  }
0x2e4: {  	vm5 =	vmand vm5, vm6;
	vm7 =	vmneg @p6 vm7;
	p4 =	por p3, p5;
	s9 =	sld [smem:$0x7EC];
	s8 =	sadd.s32 s6, s14  }
0x2e5: {  	vm5 =	vmand vm7, vm5;
	p5 =	por !p4, !p4;
	p3 =	sge.s32 s8, s19  }
0x2e6: {  	vm9 =	vmmov vm4;
	v7 =	vnsel vm5, $0x0, v3;
	v6 =	vadd.s32 v6, v10;
	p5 =	por !p3, !p5  }
0x2e7: {  	vm6 =	vlt.s32 v10, v4;
	vm8 =	vge.s32 v6, v4;
	v6 =	vsub.s32 s8, v61;
	p6 =	seq.s32 s9, $0x1;
	p5 =	por !p5, !p5;
	s31 =	spop (v2sf)  }
0x2e8: {  	vm6 =	vmand vm6, vm8;
	v5 =	vadd.s32 v5, v6;
	vm9 =	vmneg @p6 vm9;
	s8 =	smov.u32 @p5 s6;
	s10 =	spop (v2sf)  }
0x2e9: {  	p3 =	por p4, p3;
	vm7 =	vge.s32 v5, v4;
	vm5 =	vmand vm9, vm6;
	vm6 =	vlt.s32 v6, v4;
	s6 =	sadd.s32 s8, s10  }
0x2ea: {  	p3 =	por !p3, !p3;
	vm9 =	vmmov vm4;
	v6 =	vnsel vm5, $0x0, v3;
	v5 =	vsub.s32 s6, v63;
	p4 =	sge.s32 s6, s19  }
0x2eb: {  	(xrf0) =	vadd.scan.msk.s32 $0xffff, v7;
	vm5 =	vmand vm6, vm7;
	vm6 =	vmmov vm4;
	p3 =	por !p4, !p3;
	v7 =	vadd.s32 v8, v5  }
0x2ec: {  	vm6 =	vmneg @p5 vm6;
	vm7 =	vlt.s32 v5, v4;
	p4 =	por !p3, !p3;
	vm15 =	vge.s32 v7, v4  }
0x2ed: {  	vm5 =	vmand vm6, vm5;
	vm6 =	vmand vm7, vm15;
	vm9 =	vmneg @p4 vm9  }
0x2ee: {  	(xrf0) =	vadd.scan.msk.s32 $0xffff, v6;
	v4 =	vnsel vm5, $0x0, v3;
	vm5 =	vmand vm9, vm6  }
0x2ef: {  	(xrf0) =	vadd.scan.msk.s32 $0xffff, v4;
	v4 =	vnsel vm5, $0x0, v3;
	_ =	sdelay $0x1  }
0x2f0: {  	(xrf0) =	vadd.scan.msk.s32 $0xffff, v4  }
0x2f1: {  	p1 =	por p1, p1;
	v4, _, _ =	vpop (xrf0)  }
0x2f2: {  	p2 =	por p2, p2;
	p0 =	por p0, p0;
	p1 =	por p1, p1;
	(v2sf) =	vpush v4, $0xF  }
0x2f3: {  	p0 =	por p0, p0;
	s0 =	sadd.s32 s18, s0;
	s11 =	sld [smem:$0x7ED];
	v4, _, _ =	vpop (xrf0)  }
0x2f4: {  	s16 =	smov.u32 @p2 s0;
	s0 =	sadd.s32 s30, s1;
	s14 =	sld [smem:$0x7EE];
	(v2sf) =	vpush v4, $0xF  }
0x2f5: {  	p0 =	por p0, p0;
	s16 =	smov.u32 @p1 s0;
	s0 =	sadd.s32 s29, s7;
	v4, _, _ =	vpop (xrf0)  }
0x2f6: {  	s16 =	smov.u32 @p0 s0;
	s18 =	sld [smem:$0x7EF];
	p2 =	seq.s32 s11, $0x1;
	(v2sf) =	vpush v4, $0xF;
	v4, _, _ =	vpop (xrf0)  }
0x2f7: {  	s0 =	sadd.s32 s28, s2;
	p1 =	por p2, p2;
	p2 =	seq.s32 s14, $0x1;
	(v2sf) =	vpush v4, $0xF  }
0x2f8: {  	s19 =	sld [smem:$0x7F0];
	p3 =	por p1, p1;
	p1 =	por p2, p2  }
0x2f9: {  	p2 =	seq.s32 s18, $0x1;
	p0 =	por p3, p3;
	p3 =	por p1, p1  }
0x2fa: {  	s16 =	smov.u32 @p0 s0;
	p0 =	por p3, p3;
	s0 =	sadd.s32 s26, s3  }
0x2fb: {  	s16 =	smov.u32 @p0 s0;
	s0 =	sadd.s32 s23, s4;
	s23 =	sld [smem:$0x7F1]  }
0x2fc: {  	p1 =	por p2, p2  }
0x2fd: {  	p6 =	por p6, p6;
	p2 =	seq.s32 s19, $0x1;
	p3 =	por p1, p1  }
0x2fe: {  	p1 =	por p2, p2;
	p0 =	por p3, p3;
	p3 =	seq.s32 s23, $0x1  }
0x2ff: {  	p1 =	por p1, p1;
	s16 =	smov.u32 @p0 s0;
	p2 =	por p3, p3  }
0x300: {  	p0 =	por p1, p1;
	s0 =	sadd.s32 s24, s31;
	p3 =	por p2, p2  }
0x301: {  	s16 =	smov.u32 @p0 s0;
	p0 =	por p3, p3;
	s24 =	spop (v2sf)  }
0x302: {  	p3 =	por p6, p6;
	p6 =	por p5, p5;
	s0 =	sadd.s32 s25, s24  }
0x303: {  	p5 =	por p4, p4;
	s26 =	spop (v2sf);
	s16 =	smov.u32 @p0 s0  }
0x304: {  	p0 =	por p3, p3;
	p3 =	por p6, p6;
	s0 =	sadd.s32 s22, s26  }
0x305: {  	s28 =	spop (v2sf);
	p6 =	por p5, p5;
	s16 =	smov.u32 @p0 s0  }
0x306: {  	p0 =	por p3, p3;
	s0 =	sadd.s32 s20, s28;
	s29 =	spop (v2sf)  }
0x307: {  	s16 =	smov.u32 @p0 s0;
	p0 =	por p6, p6;
	s0 =	sadd.s32 s21, s29  }
0x308: {  	s30 =	sshll.u32 s17, $0x8;
	s31 =	simm.s32 $0x0;
	s16 =	smov.u32 @p0 s0  }
0x309: {  	v7 =	vld [tilespmem:s31+$0x0];
	s0 =	sadd.s32 s30, s16  }
0x30a: {  	v6 =	vimm.f32 $0.0e+00;
	v4 =	vimm.s32 $0x0;
	v5 =	vmov s0;
	s0 =	simm.s32 $0x40  }
.LBB2_24:
0x30b: {  	p0 =	sne.s32 s0, $0x17FC0  }
.Ltmp13:
0x30c: {  	_ = 	snop;
	(pc) =	sbr.rel @p0 .LBB2_24-.Ltmp13, $4  }
0x30d: {  	_ = 	snop  }
0x30e: {  	s1 =	sshra.s32 s0, $0x2;
	s0 =	sadd.s32 $0x40, s0;
	v8 =	vand.u32 $0x7FFFFFFF, v7;
	vm5 =	vgt.s32 v7, v5  }
0x30f: {  	v7 =	vld [tilespmem:s1+$0x0];
	v8 =	vnsel vm5, $0x0, v8;
	v9 =	vsel vm5, $0x1, v1  }
0x310: {  	v6 =	vadd.f32 v8, v6;
	v4 =	vadd.s32 v9, v4  }
0x311: {  	_ =	sdelay $0x2  }
0x312: {  	v8 =	vand.u32 $0x7FFFFFFF, v7;
	vm5 =	vgt.s32 v7, v5  }
0x313: {  	v7 =	vnsel vm5, $0x0, v8  }
0x314: {  	v5 =	vnsel vm0, $0x0, v5;
	v6 =	vadd.f32 v7, v6  }
0x315: {  	(xrf2) =	vadd.scan.msk.f32 $0xffff, v5  }
0x316: {  	(xrf2) =	vadd.scan.msk.f32 $0xffff, v6;
	_ =	sdelay $0x2  }
0x317: {  	v5 =	vsel vm5, $0x1, v1  }
0x318: {  	v4 =	vadd.s32 v5, v4  }
0x319: {  	(xrf0) =	vadd.scan.msk.s32 $0xffff, v4;
	_ =	sdelay $0x3  }
0x31a: {  	v4, _, _ =	vpop (xrf2)  }
0x31b: {  	(v2sf) =	vpush v4, $0xF;
	v4, _, _ =	vpop (xrf2)  }
0x31c: {  	(v2sf) =	vpush v4, $0xF;
	v4, _, _ =	vpop (xrf0)  }
0x31d: {  	(v2sf) =	vpush v4, $0xF;
	_ =	sdelay $0xc  }
0x31e: {  	s0 =	spop (v2sf)  }
0x31f: {  	s1 =	spop (v2sf)  }
0x320: {  	s2 =	spop (v2sf)  }
0x321: {  	s2 =	ssub.s32 s15, s2  }
0x322: {  	s2 =	scvt.s32.f32 s2  }
.Ltmp14:
0x323: {  	_ = 	snop;
	(pc) =	sbr.rel .LBB2_26-.Ltmp14, $3  }
0x324: {  	s0 =	smul.f32 s2, s0;
	_ =	sdelay $0x1  }
0x325: {  	s17 =	sadd.f32 s0, s1  }
0x326: {  	s7 =	simm.s32 $0x0;
	s8 =	simm.s32 $0x1;
	s2 =	rddreg [dreg:$0x6]  }
.LBB2_27:
0x327: {  	_ =	sfence.sel $0x180000  }
0x328: {  	[bflag:$0x0] =	sbarrier.arrive $0xFFFF  }
0x329: {  	_ =	strace $0x90000047  }
0x32a: {  	s0 =	stileid.u32;
	[bflag:$0x2] =	sbarrier.arrive $0xFFFF  }
0x32b: {  	p0 =	sne.s32 s0, $0x0;
	s0 =	rddreg [dreg:$0x1]  }
0x32c: {  	s0 =	sadd.s32 @!p0 $0x100000, s0  }
0x32d: {  	[sflag:s0] =	ssyncadd.tile.s32 @!p0 $0x1;
	_ =	shalt  }
.Lfunc_end2:
_tile_overlayer_lowered:
.L_overlay_start_2:
0x32e: {  	(tag) =	ssettag $0x2  }
0x32f: {  	s0 =	rddreg [dreg:$0x0];
	s2 =	stileid.u32  }
0x330: {  	s1 =	rddreg [dreg:$0x1];
	p0 =	sne.s32 s2, $0x0  }
0x331: {  	s3 =	rddreg [dreg:$0x2];
	[bflag:$0x3] =	sbarrier.arrive $0xFFFF;
	s2 =	simm.s32 @!p0 $0x1C01  }
0x332: {  	[timem:s3], [sflag:s2] =	dma.local @!p0 [hbm:s0], s1  }
0x333: {  	s0 =	simm.s32 @!p0 $0x1  }
0x334: {  	_ =	swait.ge @!p0 [sflag:s0], s1  }
0x335: {  	s1 =	ssub.s32 @!p0 $0x0, s1;
	[sflag:s0] =	ssyncset.done @!p0 $0x0  }
0x336: {  	[sflag:s0] =	ssyncadd.s32 @!p0 s1  }
0x337: {  	[bflag:$0x3] =	sbarrier.arrive $0xFFFF  }
0x338: {  	_ =	shalt  }

</sc_bundles>
